<compile_context>
chip_gen: v7x
topology: tpu7x:2x2x1
jax: 0.10.2.dev20260603
libtpu: 0.0.44.dev20260713+nightly
codegen_flags: <defaults>
</compile_context>

<pallas_src>
import functools

import jax
import jax.numpy as jnp
from jax import lax
from jax.experimental import pallas as pl
from jax.experimental.pallas import tpu as pltpu
from jax.experimental.pallas import tpu_sc as plsc

_N = 10000
_E = 320000
_D = 128
_DE = 16
_T = 3

_NC = 2
_NS = 16
_NW = _NC * _NS
_CH = 128
_CPW = 79
_EPAD = _NW * _CPW * _CH
_NPAD = 10240
_RPW = _NPAD // _NS

_mesh = plsc.VectorSubcoreMesh(core_axis_name="c", subcore_axis_name="s")


@functools.partial(
    pl.kernel,
    mesh=_mesh,
    out_type=jax.ShapeDtypeStruct((_NC, _NPAD, _D), jnp.float32),
    scratch_types=[
        pltpu.VMEM((_CPW, _CH), jnp.int32),
        pltpu.VMEM((_CPW, _CH), jnp.int32),
        pltpu.VMEM((_CH, _D), jnp.float32),
        pltpu.VMEM_SHARED((_NPAD, _D), jnp.float32),
        pltpu.SemaphoreType.DMA,
    ],
)
def _sc_spmm(h_hbm, widx_hbm, vidx_hbm, zeros_hbm, out_hbm,
             widx_v, vidx_v, rows_v, acc, sem):
    c = lax.axis_index("c")
    s = lax.axis_index("s")
    wid = s * _NC + c
    pltpu.sync_copy(widx_hbm.at[wid], widx_v)
    pltpu.sync_copy(vidx_hbm.at[wid], vidx_v)
    pltpu.sync_copy(zeros_hbm, acc.at[pl.ds(s * _RPW, _RPW)])
    plsc.subcore_barrier()

    def body(j, carry):
        pltpu.async_copy(h_hbm.at[widx_v.at[j]], rows_v, sem).wait()
        pltpu.sync_copy(rows_v, acc.at[vidx_v.at[j]], add=True)
        return carry

    lax.fori_loop(0, _CPW, body, 0)
    plsc.subcore_barrier()
    pltpu.sync_copy(acc.at[pl.ds(s * _RPW, _RPW)],
                    out_hbm.at[c, pl.ds(s * _RPW, _RPW)])


_BN = 1000


def _tc_round_body(h_ref, pp_ref, sa_ref, u1_ref, u2_ref, waug_ref,
                   m1_ref, m2_ref, mb_ref, out_ref):
    hb = h_ref[...]
    p = pp_ref[0] + pp_ref[1]
    sa = sa_ref[0] + sa_ref[1]
    deg = sa[:, _DE:_DE + 1]
    agg = (deg * jnp.dot(hb, u1_ref[...], preferred_element_type=jnp.float32)
           + jnp.dot(p, u2_ref[...], preferred_element_type=jnp.float32)
           + jnp.dot(sa, waug_ref[...], preferred_element_type=jnp.float32))
    out = (jnp.dot(hb, m1_ref[...], preferred_element_type=jnp.float32)
           + jnp.dot(agg, m2_ref[...], preferred_element_type=jnp.float32)
           + mb_ref[...])
    out_ref[...] = jnp.maximum(out, 0.0)


_tc_round = pl.pallas_call(
    _tc_round_body,
    grid=(_N // _BN,),
    in_specs=[
        pl.BlockSpec((_BN, _D), lambda i: (i, 0)),
        pl.BlockSpec((_NC, _BN, _D), lambda i: (0, i, 0)),
        pl.BlockSpec((_NC, _BN, _D), lambda i: (0, i, 0)),
        pl.BlockSpec((_D, _D), lambda i: (0, 0)),
        pl.BlockSpec((_D, _D), lambda i: (0, 0)),
        pl.BlockSpec((_D, _D), lambda i: (0, 0)),
        pl.BlockSpec((_D, _D), lambda i: (0, 0)),
        pl.BlockSpec((_D, _D), lambda i: (0, 0)),
        pl.BlockSpec((1, _D), lambda i: (0, 0)),
    ],
    out_specs=pl.BlockSpec((_BN, _D), lambda i: (i, 0)),
    out_shape=jax.ShapeDtypeStruct((_N, _D), jnp.float32),
)


def kernel(node_features, edge_index, edge_attr, U_w, U_b, M_w, M_b):
    v = edge_index[0]
    w = edge_index[1]
    npad = _EPAD - _E
    dummy = _N + (jnp.arange(npad, dtype=jnp.int32) % (_NPAD - _N))
    vpad = jnp.concatenate([v, dummy])
    wpad = jnp.concatenate([w, jnp.zeros((npad,), jnp.int32)])
    widx = wpad.reshape(_NW, _CPW, _CH)
    vidx = vpad.reshape(_NW, _CPW, _CH)

    eaug = jnp.concatenate(
        [edge_attr,
         jnp.ones((_E, 1), jnp.float32),
         jnp.zeros((_E, _D - _DE - 1), jnp.float32)], axis=1)
    eaug = jnp.concatenate([eaug, jnp.zeros((npad, _D), jnp.float32)], axis=0)

    lin_idx = jnp.arange(_EPAD, dtype=jnp.int32).reshape(_NW, _CPW, _CH)
    zeros_d = jnp.zeros((_RPW, _D), jnp.float32)

    sa = _sc_spmm(eaug, lin_idx, vidx, zeros_d)

    h = node_features
    for k in range(_T):
        u1 = U_w[k, :_D]
        u2 = U_w[k, _D:2 * _D]
        waug = jnp.concatenate(
            [U_w[k, 2 * _D:], U_b[k][None, :],
             jnp.zeros((_D - _DE - 1, _D), jnp.float32)], axis=0)
        pp = _sc_spmm(h, widx, vidx, zeros_d)
        h = _tc_round(h, pp, sa, u1, u2, waug,
                      M_w[k, :_D], M_w[k, _D:], M_b[k][None, :])
    return (edge_attr, h)

# --- scband reference (transcript-rebuilt; emitter-appended) ---
"""Pipeline reference for scband-message-passing-15058155340156 (READ-ONLY COPY).

The authoritative reference and input builder live on the scoring server;
editing this copy changes nothing except your own understanding.
"""

import jax, jax.numpy as jnp
import numpy as np

N = 10000
E = 320000
D = 128
DE = 16
T = 3


def setup_inputs(seed: int = 0) -> dict:
    key = jax.random.key(seed)
    ks = jax.random.split(key, 8)
    node_features = jax.random.normal(ks[0], (N, D), dtype=jnp.float32)
    edge_index = jax.random.randint(ks[1], (2, E), 0, N, dtype=jnp.int32)
    edge_attr = jax.random.normal(ks[2], (E, DE), dtype=jnp.float32)
    # Learned params: U_k: Linear(2*D+DE -> D), M_k: Linear(2*D -> D), k=0..T-1 (stacked)
    su = 1.0 / np.sqrt(2 * D + DE)
    sm = 1.0 / np.sqrt(2 * D)
    U_w = jax.random.uniform(ks[3], (T, 2 * D + DE, D), minval=-su, maxval=su, dtype=jnp.float32)
    U_b = jax.random.uniform(ks[4], (T, D), minval=-su, maxval=su, dtype=jnp.float32)
    M_w = jax.random.uniform(ks[5], (T, 2 * D, D), minval=-sm, maxval=sm, dtype=jnp.float32)
    M_b = jax.random.uniform(ks[6], (T, D), minval=-sm, maxval=sm, dtype=jnp.float32)
    return {
        "node_features": node_features,
        "edge_index": edge_index,
        "edge_attr": edge_attr,
        "U_w": U_w,
        "U_b": U_b,
        "M_w": M_w,
        "M_b": M_b,
    }


def reference(node_features, edge_index, edge_attr, U_w, U_b, M_w, M_b):
    # Vectorized, faithful translation of the dict-of-neighbors message passing:
    # for each edge (v, w) with edge feature e_vw:
    #   msg_vw = U_k([h_v, h_w, e_vw])  (linear)
    #   m_v = sum over neighbors w of msg_vw   (scatter-add / segment_sum on v)
    #   h_v <- relu(M_k([h_v, m_v]))
    # repeated for k = 0..T-1; edge features are returned unchanged.
    v = edge_index[0]
    w = edge_index[1]
    h = node_features
    for k in range(T):
        hv = jnp.take(h, v, axis=0)
        hw = jnp.take(h, w, axis=0)
        cat = jnp.concatenate([hv, hw, edge_attr], axis=1)
        msg = cat @ U_w[k] + U_b[k]
        agg = jax.ops.segment_sum(msg, v, num_segments=N)
        h = jax.nn.relu(jnp.concatenate([h, agg], axis=1) @ M_w[k] + M_b[k])
    return (edge_attr, h)

if __name__ == "__main__":
    import jax
    _d = setup_inputs()
    print(jax.jit(kernel)(*tuple(_d.values())))

</pallas_src>

<mosaic_0001>
#map = affine_map<(d0, d1) -> (0, 0)>
#map1 = affine_map<(d0, d1) -> (0, 0, 0)>
module attributes {stable_mosaic.version = 14 : i64} {
  func.func @_sc_spmm(%arg0: i32, %arg1: i32, %arg2: memref<10000x128xf32, #tpu.memory_space<hbm>>, %arg3: memref<32x79x128xi32, #tpu.memory_space<hbm>>, %arg4: memref<32x79x128xi32, #tpu.memory_space<hbm>>, %arg5: memref<640x128xf32, #tpu.memory_space<hbm>>, %arg6: memref<2x10240x128xf32, #tpu.memory_space<hbm>>, %arg7: memref<79x128xi32, #tpu.memory_space<vmem>>, %arg8: memref<79x128xi32, #tpu.memory_space<vmem>>, %arg9: memref<128x128xf32, #tpu.memory_space<vmem>>, %arg10: memref<10240x128xf32, #tpu.memory_space<vmem_shared>>, %arg11: memref<!tpu.dma_semaphore, #tpu.memory_space<semaphore_mem>>) attributes {dimension_semantics = [#tpu.dimension_semantics<core_parallel>, #tpu.dimension_semantics<subcore_parallel>], iteration_bounds = array<i64: 2, 16>, scalar_prefetch = 0 : i64, scratch_operands = 5 : i64, tpu.core_type = #tpu.core_type<sc_vector_subcore>, window_params = [{transform_indices = #map}, {transform_indices = #map1}, {transform_indices = #map1}, {transform_indices = #map}, {transform_indices = #map1}]} {
    %mul3A = arith.constant 2 : i32
    %mul3A_0 = arith.muli %arg1, %mul3A : i32
    %add3A = arith.addi %mul3A_0, %arg0 : i32
    "tpu.region"() ({
      %run_scoped3A = tpu.sem_alloc : memref<!tpu.dma_semaphore, #tpu.memory_space<semaphore_mem>>
      %dma_start3A = arith.constant 0 : i32
      %dma_start3A_13 = arith.constant 0 : i32
      %dma_start3A_14 = tpu.memref_slice %arg3[%add3A, %dma_start3A, %dma_start3A_13] : memref<32x79x128xi32, #tpu.memory_space<hbm>> -> memref<1x79x128xi32, #tpu.memory_space<hbm>>
      %dma_start3A_15 = tpu.memref_squeeze %dma_start3A_14 : memref<1x79x128xi32, #tpu.memory_space<hbm>> -> memref<79x128xi32, #tpu.memory_space<hbm>>
      %dma_start3A_16 = arith.constant 0 : i32
      %dma_start3A_17 = arith.constant 0 : i32
      %dma_start3A_18 = tpu.memref_slice %arg3[%add3A, %dma_start3A_16, %dma_start3A_17] : memref<32x79x128xi32, #tpu.memory_space<hbm>> -> memref<1x79x128xi32, #tpu.memory_space<hbm>>
      %dma_start3A_19 = tpu.memref_squeeze %dma_start3A_18 : memref<1x79x128xi32, #tpu.memory_space<hbm>> -> memref<79x128xi32, #tpu.memory_space<hbm>>
      tpu.enqueue_dma source(%dma_start3A_19 : memref<79x128xi32, #tpu.memory_space<hbm>>) target(%arg7 : memref<79x128xi32, #tpu.memory_space<vmem>>) target_semaphore(%run_scoped3A : memref<!tpu.dma_semaphore, #tpu.memory_space<semaphore_mem>>)
      %dma_wait3A = arith.constant 0 : i32
      %dma_wait3A_20 = arith.constant 0 : i32
      %dma_wait3A_21 = tpu.memref_slice %arg3[%add3A, %dma_wait3A, %dma_wait3A_20] : memref<32x79x128xi32, #tpu.memory_space<hbm>> -> memref<1x79x128xi32, #tpu.memory_space<hbm>>
      %dma_wait3A_22 = tpu.memref_squeeze %dma_wait3A_21 : memref<1x79x128xi32, #tpu.memory_space<hbm>> -> memref<79x128xi32, #tpu.memory_space<hbm>>
      %dma_wait3A_23 = arith.constant 0 : i32
      %dma_wait3A_24 = arith.constant 0 : i32
      %dma_wait3A_25 = tpu.memref_slice %arg3[%add3A, %dma_wait3A_23, %dma_wait3A_24] : memref<32x79x128xi32, #tpu.memory_space<hbm>> -> memref<1x79x128xi32, #tpu.memory_space<hbm>>
      %dma_wait3A_26 = tpu.memref_squeeze %dma_wait3A_25 : memref<1x79x128xi32, #tpu.memory_space<hbm>> -> memref<79x128xi32, #tpu.memory_space<hbm>>
      tpu.wait_dma2 semaphore(%run_scoped3A : memref<!tpu.dma_semaphore, #tpu.memory_space<semaphore_mem>>) src(%dma_wait3A_26 : memref<79x128xi32, #tpu.memory_space<hbm>>) dst(%arg7 : memref<79x128xi32, #tpu.memory_space<vmem>>)
      tpu.yield
    }) : () -> ()
    "tpu.region"() ({
      %run_scoped3A = tpu.sem_alloc : memref<!tpu.dma_semaphore, #tpu.memory_space<semaphore_mem>>
      %dma_start3A = arith.constant 0 : i32
      %dma_start3A_13 = arith.constant 0 : i32
      %dma_start3A_14 = tpu.memref_slice %arg4[%add3A, %dma_start3A, %dma_start3A_13] : memref<32x79x128xi32, #tpu.memory_space<hbm>> -> memref<1x79x128xi32, #tpu.memory_space<hbm>>
      %dma_start3A_15 = tpu.memref_squeeze %dma_start3A_14 : memref<1x79x128xi32, #tpu.memory_space<hbm>> -> memref<79x128xi32, #tpu.memory_space<hbm>>
      %dma_start3A_16 = arith.constant 0 : i32
      %dma_start3A_17 = arith.constant 0 : i32
      %dma_start3A_18 = tpu.memref_slice %arg4[%add3A, %dma_start3A_16, %dma_start3A_17] : memref<32x79x128xi32, #tpu.memory_space<hbm>> -> memref<1x79x128xi32, #tpu.memory_space<hbm>>
      %dma_start3A_19 = tpu.memref_squeeze %dma_start3A_18 : memref<1x79x128xi32, #tpu.memory_space<hbm>> -> memref<79x128xi32, #tpu.memory_space<hbm>>
      tpu.enqueue_dma source(%dma_start3A_19 : memref<79x128xi32, #tpu.memory_space<hbm>>) target(%arg8 : memref<79x128xi32, #tpu.memory_space<vmem>>) target_semaphore(%run_scoped3A : memref<!tpu.dma_semaphore, #tpu.memory_space<semaphore_mem>>)
      %dma_wait3A = arith.constant 0 : i32
      %dma_wait3A_20 = arith.constant 0 : i32
      %dma_wait3A_21 = tpu.memref_slice %arg4[%add3A, %dma_wait3A, %dma_wait3A_20] : memref<32x79x128xi32, #tpu.memory_space<hbm>> -> memref<1x79x128xi32, #tpu.memory_space<hbm>>
      %dma_wait3A_22 = tpu.memref_squeeze %dma_wait3A_21 : memref<1x79x128xi32, #tpu.memory_space<hbm>> -> memref<79x128xi32, #tpu.memory_space<hbm>>
      %dma_wait3A_23 = arith.constant 0 : i32
      %dma_wait3A_24 = arith.constant 0 : i32
      %dma_wait3A_25 = tpu.memref_slice %arg4[%add3A, %dma_wait3A_23, %dma_wait3A_24] : memref<32x79x128xi32, #tpu.memory_space<hbm>> -> memref<1x79x128xi32, #tpu.memory_space<hbm>>
      %dma_wait3A_26 = tpu.memref_squeeze %dma_wait3A_25 : memref<1x79x128xi32, #tpu.memory_space<hbm>> -> memref<79x128xi32, #tpu.memory_space<hbm>>
      tpu.wait_dma2 semaphore(%run_scoped3A : memref<!tpu.dma_semaphore, #tpu.memory_space<semaphore_mem>>) src(%dma_wait3A_26 : memref<79x128xi32, #tpu.memory_space<hbm>>) dst(%arg8 : memref<79x128xi32, #tpu.memory_space<vmem>>)
      tpu.yield
    }) : () -> ()
    %mul3A_1 = arith.constant 640 : i32
    %mul3A_2 = arith.muli %arg1, %mul3A_1 : i32
    "tpu.region"() ({
      %run_scoped3A = tpu.sem_alloc : memref<!tpu.dma_semaphore, #tpu.memory_space<semaphore_mem>>
      %dma_start3A = arith.constant 0 : i32
      %dma_start3A_13 = tpu.memref_slice %arg10[%mul3A_2, %dma_start3A] : memref<10240x128xf32, #tpu.memory_space<vmem_shared>> -> memref<640x128xf32, #tpu.memory_space<vmem_shared>>
      tpu.enqueue_dma source(%arg5 : memref<640x128xf32, #tpu.memory_space<hbm>>) target(%dma_start3A_13 : memref<640x128xf32, #tpu.memory_space<vmem_shared>>) target_semaphore(%run_scoped3A : memref<!tpu.dma_semaphore, #tpu.memory_space<semaphore_mem>>)
      %dma_wait3A = arith.constant 0 : i32
      %dma_wait3A_14 = tpu.memref_slice %arg10[%mul3A_2, %dma_wait3A] : memref<10240x128xf32, #tpu.memory_space<vmem_shared>> -> memref<640x128xf32, #tpu.memory_space<vmem_shared>>
      tpu.wait_dma2 semaphore(%run_scoped3A : memref<!tpu.dma_semaphore, #tpu.memory_space<semaphore_mem>>) src(%arg5 : memref<640x128xf32, #tpu.memory_space<hbm>>) dst(%dma_wait3A_14 : memref<640x128xf32, #tpu.memory_space<vmem_shared>>)
      tpu.yield
    }) : () -> ()
    %barrier3A = arith.constant 0 : index
    tpu.barrier barrier_id(%barrier3A)
    %scan3A = arith.constant 0 : i32
    %scan3A_3 = arith.constant 0 : i32
    %scan3A_4 = arith.constant 79 : i32
    %scan3A_5 = arith.addi %scan3A_3, %scan3A_4 : i32
    %scan3A_6 = arith.constant 1 : i32
    scf.for %scan3A_13 = %scan3A_3 to %scan3A_5 step %scan3A_6  : i32 {
      %dma_start3A = arith.constant 0 : i32
      %dma_start3A_14 = tpu.memref_slice %arg7[%scan3A_13, %dma_start3A] : memref<79x128xi32, #tpu.memory_space<vmem>> -> memref<1x128xi32, #tpu.memory_space<vmem>>
      %dma_start3A_15 = tpu.memref_squeeze %dma_start3A_14 : memref<1x128xi32, #tpu.memory_space<vmem>> -> memref<128xi32, #tpu.memory_space<vmem>>
      %dma_start3A_16 = arith.constant 0 : i32
      %dma_start3A_17 = arith.constant 0 : i32
      %dma_start3A_18 = tpu.memref_slice %arg2[%dma_start3A_16, %dma_start3A_17] : memref<10000x128xf32, #tpu.memory_space<hbm>> -> memref<10000x128xf32, #tpu.memory_space<hbm>>
      tpu.enqueue_indirect_dma source(%dma_start3A_18 : memref<10000x128xf32, #tpu.memory_space<hbm>>) target(%arg9 : memref<128x128xf32, #tpu.memory_space<vmem>>) offsets(%dma_start3A_15 : memref<128xi32, #tpu.memory_space<vmem>>) semaphore(%arg11 : memref<!tpu.dma_semaphore, #tpu.memory_space<semaphore_mem>>)
      %dma_wait3A = arith.constant 0 : i32
      %dma_wait3A_19 = tpu.memref_slice %arg7[%scan3A_13, %dma_wait3A] : memref<79x128xi32, #tpu.memory_space<vmem>> -> memref<1x128xi32, #tpu.memory_space<vmem>>
      %dma_wait3A_20 = tpu.memref_squeeze %dma_wait3A_19 : memref<1x128xi32, #tpu.memory_space<vmem>> -> memref<128xi32, #tpu.memory_space<vmem>>
      %dma_wait3A_21 = arith.constant 0 : i32
      %dma_wait3A_22 = arith.constant 0 : i32
      %dma_wait3A_23 = tpu.memref_slice %arg2[%dma_wait3A_21, %dma_wait3A_22] : memref<10000x128xf32, #tpu.memory_space<hbm>> -> memref<10000x128xf32, #tpu.memory_space<hbm>>
      tpu.wait_indirect_dma semaphore(%arg11 : memref<!tpu.dma_semaphore, #tpu.memory_space<semaphore_mem>>) src(%dma_wait3A_23 : memref<10000x128xf32, #tpu.memory_space<hbm>>) dst(%arg9 : memref<128x128xf32, #tpu.memory_space<vmem>>)
      "tpu.region"() ({
        %run_scoped3A = tpu.sem_alloc : memref<!tpu.dma_semaphore, #tpu.memory_space<semaphore_mem>>
        %dma_start3A_24 = arith.constant 0 : i32
        %dma_start3A_25 = tpu.memref_slice %arg8[%scan3A_13, %dma_start3A_24] : memref<79x128xi32, #tpu.memory_space<vmem>> -> memref<1x128xi32, #tpu.memory_space<vmem>>
        %dma_start3A_26 = tpu.memref_squeeze %dma_start3A_25 : memref<1x128xi32, #tpu.memory_space<vmem>> -> memref<128xi32, #tpu.memory_space<vmem>>
        %dma_start3A_27 = arith.constant 0 : i32
        %dma_start3A_28 = arith.constant 0 : i32
        %dma_start3A_29 = tpu.memref_slice %arg10[%dma_start3A_27, %dma_start3A_28] : memref<10240x128xf32, #tpu.memory_space<vmem_shared>> -> memref<10240x128xf32, #tpu.memory_space<vmem_shared>>
        tpu.enqueue_indirect_dma source(%arg9 : memref<128x128xf32, #tpu.memory_space<vmem>>) target(%dma_start3A_29 : memref<10240x128xf32, #tpu.memory_space<vmem_shared>>) offsets(%dma_start3A_26 : memref<128xi32, #tpu.memory_space<vmem>>) semaphore(%run_scoped3A : memref<!tpu.dma_semaphore, #tpu.memory_space<semaphore_mem>>) {add = true}
        %dma_wait3A_30 = arith.constant 0 : i32
        %dma_wait3A_31 = tpu.memref_slice %arg8[%scan3A_13, %dma_wait3A_30] : memref<79x128xi32, #tpu.memory_space<vmem>> -> memref<1x128xi32, #tpu.memory_space<vmem>>
        %dma_wait3A_32 = tpu.memref_squeeze %dma_wait3A_31 : memref<1x128xi32, #tpu.memory_space<vmem>> -> memref<128xi32, #tpu.memory_space<vmem>>
        %dma_wait3A_33 = arith.constant 0 : i32
        %dma_wait3A_34 = arith.constant 0 : i32
        %dma_wait3A_35 = tpu.memref_slice %arg10[%dma_wait3A_33, %dma_wait3A_34] : memref<10240x128xf32, #tpu.memory_space<vmem_shared>> -> memref<10240x128xf32, #tpu.memory_space<vmem_shared>>
        tpu.wait_indirect_dma semaphore(%run_scoped3A : memref<!tpu.dma_semaphore, #tpu.memory_space<semaphore_mem>>) src(%arg9 : memref<128x128xf32, #tpu.memory_space<vmem>>) dst(%dma_wait3A_35 : memref<10240x128xf32, #tpu.memory_space<vmem_shared>>)
        tpu.yield
      }) : () -> ()
    }
    %scan3A_7 = arith.constant 79 : i32
    %barrier3A_8 = arith.constant 0 : index
    tpu.barrier barrier_id(%barrier3A_8)
    %mul3A_9 = arith.constant 640 : i32
    %mul3A_10 = arith.muli %arg1, %mul3A_9 : i32
    %mul3A_11 = arith.constant 640 : i32
    %mul3A_12 = arith.muli %arg1, %mul3A_11 : i32
    "tpu.region"() ({
      %run_scoped3A = tpu.sem_alloc : memref<!tpu.dma_semaphore, #tpu.memory_space<semaphore_mem>>
      %dma_start3A = arith.constant 0 : i32
      %dma_start3A_13 = tpu.memref_slice %arg6[%arg0, %mul3A_12, %dma_start3A] : memref<2x10240x128xf32, #tpu.memory_space<hbm>> -> memref<1x640x128xf32, #tpu.memory_space<hbm>>
      %dma_start3A_14 = tpu.memref_squeeze %dma_start3A_13 : memref<1x640x128xf32, #tpu.memory_space<hbm>> -> memref<640x128xf32, #tpu.memory_space<hbm>>
      %dma_start3A_15 = arith.constant 0 : i32
      %dma_start3A_16 = tpu.memref_slice %arg10[%mul3A_10, %dma_start3A_15] : memref<10240x128xf32, #tpu.memory_space<vmem_shared>> -> memref<640x128xf32, #tpu.memory_space<vmem_shared>>
      tpu.enqueue_dma source(%dma_start3A_16 : memref<640x128xf32, #tpu.memory_space<vmem_shared>>) target(%dma_start3A_14 : memref<640x128xf32, #tpu.memory_space<hbm>>) target_semaphore(%run_scoped3A : memref<!tpu.dma_semaphore, #tpu.memory_space<semaphore_mem>>)
      %dma_wait3A = arith.constant 0 : i32
      %dma_wait3A_17 = tpu.memref_slice %arg6[%arg0, %mul3A_12, %dma_wait3A] : memref<2x10240x128xf32, #tpu.memory_space<hbm>> -> memref<1x640x128xf32, #tpu.memory_space<hbm>>
      %dma_wait3A_18 = tpu.memref_squeeze %dma_wait3A_17 : memref<1x640x128xf32, #tpu.memory_space<hbm>> -> memref<640x128xf32, #tpu.memory_space<hbm>>
      %dma_wait3A_19 = arith.constant 0 : i32
      %dma_wait3A_20 = tpu.memref_slice %arg10[%mul3A_10, %dma_wait3A_19] : memref<10240x128xf32, #tpu.memory_space<vmem_shared>> -> memref<640x128xf32, #tpu.memory_space<vmem_shared>>
      tpu.wait_dma2 semaphore(%run_scoped3A : memref<!tpu.dma_semaphore, #tpu.memory_space<semaphore_mem>>) src(%dma_wait3A_20 : memref<640x128xf32, #tpu.memory_space<vmem_shared>>) dst(%dma_wait3A_18 : memref<640x128xf32, #tpu.memory_space<hbm>>)
      tpu.yield
    }) : () -> ()
    return
  }
}

#map = affine_map<(d0, d1) -> (0, 0)>
#map1 = affine_map<(d0, d1) -> (0, 0, 0)>
module attributes {stable_mosaic.version = 14 : i64} {
  func.func @_sc_spmm(%arg0: i32, %arg1: i32, %arg2: memref<10000x128xf32, #tpu.memory_space<hbm>>, %arg3: memref<32x79x128xi32, #tpu.memory_space<hbm>>, %arg4: memref<32x79x128xi32, #tpu.memory_space<hbm>>, %arg5: memref<640x128xf32, #tpu.memory_space<hbm>>, %arg6: memref<2x10240x128xf32, #tpu.memory_space<hbm>>, %arg7: memref<79x128xi32, #tpu.memory_space<vmem>>, %arg8: memref<79x128xi32, #tpu.memory_space<vmem>>, %arg9: memref<128x128xf32, #tpu.memory_space<vmem>>, %arg10: memref<10240x128xf32, #tpu.memory_space<vmem_shared>>, %arg11: memref<!tpu.dma_semaphore, #tpu.memory_space<semaphore_mem>>) attributes {dimension_semantics = [#tpu.dimension_semantics<core_parallel>, #tpu.dimension_semantics<subcore_parallel>], iteration_bounds = array<i64: 2, 16>, scalar_prefetch = 0 : i64, scratch_operands = 5 : i64, tpu.core_type = #tpu.core_type<sc_vector_subcore>, window_params = [{transform_indices = #map}, {transform_indices = #map1}, {transform_indices = #map1}, {transform_indices = #map}, {transform_indices = #map1}]} {
    %mul3A = arith.constant 2 : i32
    %mul3A_0 = arith.muli %arg1, %mul3A : i32
    %add3A = arith.addi %mul3A_0, %arg0 : i32
    "tpu.region"() ({
      %run_scoped3A = tpu.sem_alloc : memref<!tpu.dma_semaphore, #tpu.memory_space<semaphore_mem>>
      %dma_start3A = arith.constant 0 : i32
      %dma_start3A_13 = arith.constant 0 : i32
      %dma_start3A_14 = tpu.memref_slice %arg3[%add3A, %dma_start3A, %dma_start3A_13] : memref<32x79x128xi32, #tpu.memory_space<hbm>> -> memref<1x79x128xi32, #tpu.memory_space<hbm>>
      %dma_start3A_15 = tpu.memref_squeeze %dma_start3A_14 : memref<1x79x128xi32, #tpu.memory_space<hbm>> -> memref<79x128xi32, #tpu.memory_space<hbm>>
      %dma_start3A_16 = arith.constant 0 : i32
      %dma_start3A_17 = arith.constant 0 : i32
      %dma_start3A_18 = tpu.memref_slice %arg3[%add3A, %dma_start3A_16, %dma_start3A_17] : memref<32x79x128xi32, #tpu.memory_space<hbm>> -> memref<1x79x128xi32, #tpu.memory_space<hbm>>
      %dma_start3A_19 = tpu.memref_squeeze %dma_start3A_18 : memref<1x79x128xi32, #tpu.memory_space<hbm>> -> memref<79x128xi32, #tpu.memory_space<hbm>>
      tpu.enqueue_dma source(%dma_start3A_19 : memref<79x128xi32, #tpu.memory_space<hbm>>) target(%arg7 : memref<79x128xi32, #tpu.memory_space<vmem>>) target_semaphore(%run_scoped3A : memref<!tpu.dma_semaphore, #tpu.memory_space<semaphore_mem>>)
      %dma_wait3A = arith.constant 0 : i32
      %dma_wait3A_20 = arith.constant 0 : i32
      %dma_wait3A_21 = tpu.memref_slice %arg3[%add3A, %dma_wait3A, %dma_wait3A_20] : memref<32x79x128xi32, #tpu.memory_space<hbm>> -> memref<1x79x128xi32, #tpu.memory_space<hbm>>
      %dma_wait3A_22 = tpu.memref_squeeze %dma_wait3A_21 : memref<1x79x128xi32, #tpu.memory_space<hbm>> -> memref<79x128xi32, #tpu.memory_space<hbm>>
      %dma_wait3A_23 = arith.constant 0 : i32
      %dma_wait3A_24 = arith.constant 0 : i32
      %dma_wait3A_25 = tpu.memref_slice %arg3[%add3A, %dma_wait3A_23, %dma_wait3A_24] : memref<32x79x128xi32, #tpu.memory_space<hbm>> -> memref<1x79x128xi32, #tpu.memory_space<hbm>>
      %dma_wait3A_26 = tpu.memref_squeeze %dma_wait3A_25 : memref<1x79x128xi32, #tpu.memory_space<hbm>> -> memref<79x128xi32, #tpu.memory_space<hbm>>
      tpu.wait_dma2 semaphore(%run_scoped3A : memref<!tpu.dma_semaphore, #tpu.memory_space<semaphore_mem>>) src(%dma_wait3A_26 : memref<79x128xi32, #tpu.memory_space<hbm>>) dst(%arg7 : memref<79x128xi32, #tpu.memory_space<vmem>>)
      tpu.yield
    }) : () -> ()
    "tpu.region"() ({
      %run_scoped3A = tpu.sem_alloc : memref<!tpu.dma_semaphore, #tpu.memory_space<semaphore_mem>>
      %dma_start3A = arith.constant 0 : i32
      %dma_start3A_13 = arith.constant 0 : i32
      %dma_start3A_14 = tpu.memref_slice %arg4[%add3A, %dma_start3A, %dma_start3A_13] : memref<32x79x128xi32, #tpu.memory_space<hbm>> -> memref<1x79x128xi32, #tpu.memory_space<hbm>>
      %dma_start3A_15 = tpu.memref_squeeze %dma_start3A_14 : memref<1x79x128xi32, #tpu.memory_space<hbm>> -> memref<79x128xi32, #tpu.memory_space<hbm>>
      %dma_start3A_16 = arith.constant 0 : i32
      %dma_start3A_17 = arith.constant 0 : i32
      %dma_start3A_18 = tpu.memref_slice %arg4[%add3A, %dma_start3A_16, %dma_start3A_17] : memref<32x79x128xi32, #tpu.memory_space<hbm>> -> memref<1x79x128xi32, #tpu.memory_space<hbm>>
      %dma_start3A_19 = tpu.memref_squeeze %dma_start3A_18 : memref<1x79x128xi32, #tpu.memory_space<hbm>> -> memref<79x128xi32, #tpu.memory_space<hbm>>
      tpu.enqueue_dma source(%dma_start3A_19 : memref<79x128xi32, #tpu.memory_space<hbm>>) target(%arg8 : memref<79x128xi32, #tpu.memory_space<vmem>>) target_semaphore(%run_scoped3A : memref<!tpu.dma_semaphore, #tpu.memory_space<semaphore_mem>>)
      %dma_wait3A = arith.constant 0 : i32
      %dma_wait3A_20 = arith.constant 0 : i32
      %dma_wait3A_21 = tpu.memref_slice %arg4[%add3A, %dma_wait3A, %dma_wait3A_20] : memref<32x79x128xi32, #tpu.memory_space<hbm>> -> memref<1x79x128xi32, #tpu.memory_space<hbm>>
      %dma_wait3A_22 = tpu.memref_squeeze %dma_wait3A_21 : memref<1x79x128xi32, #tpu.memory_space<hbm>> -> memref<79x128xi32, #tpu.memory_space<hbm>>
      %dma_wait3A_23 = arith.constant 0 : i32
      %dma_wait3A_24 = arith.constant 0 : i32
      %dma_wait3A_25 = tpu.memref_slice %arg4[%add3A, %dma_wait3A_23, %dma_wait3A_24] : memref<32x79x128xi32, #tpu.memory_space<hbm>> -> memref<1x79x128xi32, #tpu.memory_space<hbm>>
      %dma_wait3A_26 = tpu.memref_squeeze %dma_wait3A_25 : memref<1x79x128xi32, #tpu.memory_space<hbm>> -> memref<79x128xi32, #tpu.memory_space<hbm>>
      tpu.wait_dma2 semaphore(%run_scoped3A : memref<!tpu.dma_semaphore, #tpu.memory_space<semaphore_mem>>) src(%dma_wait3A_26 : memref<79x128xi32, #tpu.memory_space<hbm>>) dst(%arg8 : memref<79x128xi32, #tpu.memory_space<vmem>>)
      tpu.yield
    }) : () -> ()
    %mul3A_1 = arith.constant 640 : i32
    %mul3A_2 = arith.muli %arg1, %mul3A_1 : i32
    "tpu.region"() ({
      %run_scoped3A = tpu.sem_alloc : memref<!tpu.dma_semaphore, #tpu.memory_space<semaphore_mem>>
      %dma_start3A = arith.constant 0 : i32
      %dma_start3A_13 = tpu.memref_slice %arg10[%mul3A_2, %dma_start3A] : memref<10240x128xf32, #tpu.memory_space<vmem_shared>> -> memref<640x128xf32, #tpu.memory_space<vmem_shared>>
      tpu.enqueue_dma source(%arg5 : memref<640x128xf32, #tpu.memory_space<hbm>>) target(%dma_start3A_13 : memref<640x128xf32, #tpu.memory_space<vmem_shared>>) target_semaphore(%run_scoped3A : memref<!tpu.dma_semaphore, #tpu.memory_space<semaphore_mem>>)
      %dma_wait3A = arith.constant 0 : i32
      %dma_wait3A_14 = tpu.memref_slice %arg10[%mul3A_2, %dma_wait3A] : memref<10240x128xf32, #tpu.memory_space<vmem_shared>> -> memref<640x128xf32, #tpu.memory_space<vmem_shared>>
      tpu.wait_dma2 semaphore(%run_scoped3A : memref<!tpu.dma_semaphore, #tpu.memory_space<semaphore_mem>>) src(%arg5 : memref<640x128xf32, #tpu.memory_space<hbm>>) dst(%dma_wait3A_14 : memref<640x128xf32, #tpu.memory_space<vmem_shared>>)
      tpu.yield
    }) : () -> ()
    %barrier3A = arith.constant 0 : index
    tpu.barrier barrier_id(%barrier3A)
    %scan3A = arith.constant 0 : i32
    %scan3A_3 = arith.constant 0 : i32
    %scan3A_4 = arith.constant 79 : i32
    %scan3A_5 = arith.addi %scan3A_3, %scan3A_4 : i32
    %scan3A_6 = arith.constant 1 : i32
    scf.for %scan3A_13 = %scan3A_3 to %scan3A_5 step %scan3A_6  : i32 {
      %dma_start3A = arith.constant 0 : i32
      %dma_start3A_14 = tpu.memref_slice %arg7[%scan3A_13, %dma_start3A] : memref<79x128xi32, #tpu.memory_space<vmem>> -> memref<1x128xi32, #tpu.memory_space<vmem>>
      %dma_start3A_15 = tpu.memref_squeeze %dma_start3A_14 : memref<1x128xi32, #tpu.memory_space<vmem>> -> memref<128xi32, #tpu.memory_space<vmem>>
      %dma_start3A_16 = arith.constant 0 : i32
      %dma_start3A_17 = arith.constant 0 : i32
      %dma_start3A_18 = tpu.memref_slice %arg2[%dma_start3A_16, %dma_start3A_17] : memref<10000x128xf32, #tpu.memory_space<hbm>> -> memref<10000x128xf32, #tpu.memory_space<hbm>>
      tpu.enqueue_indirect_dma source(%dma_start3A_18 : memref<10000x128xf32, #tpu.memory_space<hbm>>) target(%arg9 : memref<128x128xf32, #tpu.memory_space<vmem>>) offsets(%dma_start3A_15 : memref<128xi32, #tpu.memory_space<vmem>>) semaphore(%arg11 : memref<!tpu.dma_semaphore, #tpu.memory_space<semaphore_mem>>)
      %dma_wait3A = arith.constant 0 : i32
      %dma_wait3A_19 = tpu.memref_slice %arg7[%scan3A_13, %dma_wait3A] : memref<79x128xi32, #tpu.memory_space<vmem>> -> memref<1x128xi32, #tpu.memory_space<vmem>>
      %dma_wait3A_20 = tpu.memref_squeeze %dma_wait3A_19 : memref<1x128xi32, #tpu.memory_space<vmem>> -> memref<128xi32, #tpu.memory_space<vmem>>
      %dma_wait3A_21 = arith.constant 0 : i32
      %dma_wait3A_22 = arith.constant 0 : i32
      %dma_wait3A_23 = tpu.memref_slice %arg2[%dma_wait3A_21, %dma_wait3A_22] : memref<10000x128xf32, #tpu.memory_space<hbm>> -> memref<10000x128xf32, #tpu.memory_space<hbm>>
      tpu.wait_indirect_dma semaphore(%arg11 : memref<!tpu.dma_semaphore, #tpu.memory_space<semaphore_mem>>) src(%dma_wait3A_23 : memref<10000x128xf32, #tpu.memory_space<hbm>>) dst(%arg9 : memref<128x128xf32, #tpu.memory_space<vmem>>)
      "tpu.region"() ({
        %run_scoped3A = tpu.sem_alloc : memref<!tpu.dma_semaphore, #tpu.memory_space<semaphore_mem>>
        %dma_start3A_24 = arith.constant 0 : i32
        %dma_start3A_25 = tpu.memref_slice %arg8[%scan3A_13, %dma_start3A_24] : memref<79x128xi32, #tpu.memory_space<vmem>> -> memref<1x128xi32, #tpu.memory_space<vmem>>
        %dma_start3A_26 = tpu.memref_squeeze %dma_start3A_25 : memref<1x128xi32, #tpu.memory_space<vmem>> -> memref<128xi32, #tpu.memory_space<vmem>>
        %dma_start3A_27 = arith.constant 0 : i32
        %dma_start3A_28 = arith.constant 0 : i32
        %dma_start3A_29 = tpu.memref_slice %arg10[%dma_start3A_27, %dma_start3A_28] : memref<10240x128xf32, #tpu.memory_space<vmem_shared>> -> memref<10240x128xf32, #tpu.memory_space<vmem_shared>>
        tpu.enqueue_indirect_dma source(%arg9 : memref<128x128xf32, #tpu.memory_space<vmem>>) target(%dma_start3A_29 : memref<10240x128xf32, #tpu.memory_space<vmem_shared>>) offsets(%dma_start3A_26 : memref<128xi32, #tpu.memory_space<vmem>>) semaphore(%run_scoped3A : memref<!tpu.dma_semaphore, #tpu.memory_space<semaphore_mem>>) {add = true}
        %dma_wait3A_30 = arith.constant 0 : i32
        %dma_wait3A_31 = tpu.memref_slice %arg8[%scan3A_13, %dma_wait3A_30] : memref<79x128xi32, #tpu.memory_space<vmem>> -> memref<1x128xi32, #tpu.memory_space<vmem>>
        %dma_wait3A_32 = tpu.memref_squeeze %dma_wait3A_31 : memref<1x128xi32, #tpu.memory_space<vmem>> -> memref<128xi32, #tpu.memory_space<vmem>>
        %dma_wait3A_33 = arith.constant 0 : i32
        %dma_wait3A_34 = arith.constant 0 : i32
        %dma_wait3A_35 = tpu.memref_slice %arg10[%dma_wait3A_33, %dma_wait3A_34] : memref<10240x128xf32, #tpu.memory_space<vmem_shared>> -> memref<10240x128xf32, #tpu.memory_space<vmem_shared>>
        tpu.wait_indirect_dma semaphore(%run_scoped3A : memref<!tpu.dma_semaphore, #tpu.memory_space<semaphore_mem>>) src(%arg9 : memref<128x128xf32, #tpu.memory_space<vmem>>) dst(%dma_wait3A_35 : memref<10240x128xf32, #tpu.memory_space<vmem_shared>>)
        tpu.yield
      }) : () -> ()
    }
    %scan3A_7 = arith.constant 79 : i32
    %barrier3A_8 = arith.constant 0 : index
    tpu.barrier barrier_id(%barrier3A_8)
    %mul3A_9 = arith.constant 640 : i32
    %mul3A_10 = arith.muli %arg1, %mul3A_9 : i32
    %mul3A_11 = arith.constant 640 : i32
    %mul3A_12 = arith.muli %arg1, %mul3A_11 : i32
    "tpu.region"() ({
      %run_scoped3A = tpu.sem_alloc : memref<!tpu.dma_semaphore, #tpu.memory_space<semaphore_mem>>
      %dma_start3A = arith.constant 0 : i32
      %dma_start3A_13 = tpu.memref_slice %arg6[%arg0, %mul3A_12, %dma_start3A] : memref<2x10240x128xf32, #tpu.memory_space<hbm>> -> memref<1x640x128xf32, #tpu.memory_space<hbm>>
      %dma_start3A_14 = tpu.memref_squeeze %dma_start3A_13 : memref<1x640x128xf32, #tpu.memory_space<hbm>> -> memref<640x128xf32, #tpu.memory_space<hbm>>
      %dma_start3A_15 = arith.constant 0 : i32
      %dma_start3A_16 = tpu.memref_slice %arg10[%mul3A_10, %dma_start3A_15] : memref<10240x128xf32, #tpu.memory_space<vmem_shared>> -> memref<640x128xf32, #tpu.memory_space<vmem_shared>>
      tpu.enqueue_dma source(%dma_start3A_16 : memref<640x128xf32, #tpu.memory_space<vmem_shared>>) target(%dma_start3A_14 : memref<640x128xf32, #tpu.memory_space<hbm>>) target_semaphore(%run_scoped3A : memref<!tpu.dma_semaphore, #tpu.memory_space<semaphore_mem>>)
      %dma_wait3A = arith.constant 0 : i32
      %dma_wait3A_17 = tpu.memref_slice %arg6[%arg0, %mul3A_12, %dma_wait3A] : memref<2x10240x128xf32, #tpu.memory_space<hbm>> -> memref<1x640x128xf32, #tpu.memory_space<hbm>>
      %dma_wait3A_18 = tpu.memref_squeeze %dma_wait3A_17 : memref<1x640x128xf32, #tpu.memory_space<hbm>> -> memref<640x128xf32, #tpu.memory_space<hbm>>
      %dma_wait3A_19 = arith.constant 0 : i32
      %dma_wait3A_20 = tpu.memref_slice %arg10[%mul3A_10, %dma_wait3A_19] : memref<10240x128xf32, #tpu.memory_space<vmem_shared>> -> memref<640x128xf32, #tpu.memory_space<vmem_shared>>
      tpu.wait_dma2 semaphore(%run_scoped3A : memref<!tpu.dma_semaphore, #tpu.memory_space<semaphore_mem>>) src(%dma_wait3A_20 : memref<640x128xf32, #tpu.memory_space<vmem_shared>>) dst(%dma_wait3A_18 : memref<640x128xf32, #tpu.memory_space<hbm>>)
      tpu.yield
    }) : () -> ()
    return
  }
}

#map = affine_map<(d0, d1) -> (0, 0)>
#map1 = affine_map<(d0, d1) -> (0, 0, 0)>
module attributes {stable_mosaic.version = 14 : i64} {
  func.func @_sc_spmm(%arg0: i32, %arg1: i32, %arg2: memref<323584x128xf32, #tpu.memory_space<hbm>>, %arg3: memref<32x79x128xi32, #tpu.memory_space<hbm>>, %arg4: memref<32x79x128xi32, #tpu.memory_space<hbm>>, %arg5: memref<640x128xf32, #tpu.memory_space<hbm>>, %arg6: memref<2x10240x128xf32, #tpu.memory_space<hbm>>, %arg7: memref<79x128xi32, #tpu.memory_space<vmem>>, %arg8: memref<79x128xi32, #tpu.memory_space<vmem>>, %arg9: memref<128x128xf32, #tpu.memory_space<vmem>>, %arg10: memref<10240x128xf32, #tpu.memory_space<vmem_shared>>, %arg11: memref<!tpu.dma_semaphore, #tpu.memory_space<semaphore_mem>>) attributes {dimension_semantics = [#tpu.dimension_semantics<core_parallel>, #tpu.dimension_semantics<subcore_parallel>], iteration_bounds = array<i64: 2, 16>, scalar_prefetch = 0 : i64, scratch_operands = 5 : i64, tpu.core_type = #tpu.core_type<sc_vector_subcore>, window_params = [{transform_indices = #map}, {transform_indices = #map1}, {transform_indices = #map1}, {transform_indices = #map}, {transform_indices = #map1}]} {
    %mul3A = arith.constant 2 : i32
    %mul3A_0 = arith.muli %arg1, %mul3A : i32
    %add3A = arith.addi %mul3A_0, %arg0 : i32
    "tpu.region"() ({
      %run_scoped3A = tpu.sem_alloc : memref<!tpu.dma_semaphore, #tpu.memory_space<semaphore_mem>>
      %dma_start3A = arith.constant 0 : i32
      %dma_start3A_13 = arith.constant 0 : i32
      %dma_start3A_14 = tpu.memref_slice %arg3[%add3A, %dma_start3A, %dma_start3A_13] : memref<32x79x128xi32, #tpu.memory_space<hbm>> -> memref<1x79x128xi32, #tpu.memory_space<hbm>>
      %dma_start3A_15 = tpu.memref_squeeze %dma_start3A_14 : memref<1x79x128xi32, #tpu.memory_space<hbm>> -> memref<79x128xi32, #tpu.memory_space<hbm>>
      %dma_start3A_16 = arith.constant 0 : i32
      %dma_start3A_17 = arith.constant 0 : i32
      %dma_start3A_18 = tpu.memref_slice %arg3[%add3A, %dma_start3A_16, %dma_start3A_17] : memref<32x79x128xi32, #tpu.memory_space<hbm>> -> memref<1x79x128xi32, #tpu.memory_space<hbm>>
      %dma_start3A_19 = tpu.memref_squeeze %dma_start3A_18 : memref<1x79x128xi32, #tpu.memory_space<hbm>> -> memref<79x128xi32, #tpu.memory_space<hbm>>
      tpu.enqueue_dma source(%dma_start3A_19 : memref<79x128xi32, #tpu.memory_space<hbm>>) target(%arg7 : memref<79x128xi32, #tpu.memory_space<vmem>>) target_semaphore(%run_scoped3A : memref<!tpu.dma_semaphore, #tpu.memory_space<semaphore_mem>>)
      %dma_wait3A = arith.constant 0 : i32
      %dma_wait3A_20 = arith.constant 0 : i32
      %dma_wait3A_21 = tpu.memref_slice %arg3[%add3A, %dma_wait3A, %dma_wait3A_20] : memref<32x79x128xi32, #tpu.memory_space<hbm>> -> memref<1x79x128xi32, #tpu.memory_space<hbm>>
      %dma_wait3A_22 = tpu.memref_squeeze %dma_wait3A_21 : memref<1x79x128xi32, #tpu.memory_space<hbm>> -> memref<79x128xi32, #tpu.memory_space<hbm>>
      %dma_wait3A_23 = arith.constant 0 : i32
      %dma_wait3A_24 = arith.constant 0 : i32
      %dma_wait3A_25 = tpu.memref_slice %arg3[%add3A, %dma_wait3A_23, %dma_wait3A_24] : memref<32x79x128xi32, #tpu.memory_space<hbm>> -> memref<1x79x128xi32, #tpu.memory_space<hbm>>
      %dma_wait3A_26 = tpu.memref_squeeze %dma_wait3A_25 : memref<1x79x128xi32, #tpu.memory_space<hbm>> -> memref<79x128xi32, #tpu.memory_space<hbm>>
      tpu.wait_dma2 semaphore(%run_scoped3A : memref<!tpu.dma_semaphore, #tpu.memory_space<semaphore_mem>>) src(%dma_wait3A_26 : memref<79x128xi32, #tpu.memory_space<hbm>>) dst(%arg7 : memref<79x128xi32, #tpu.memory_space<vmem>>)
      tpu.yield
    }) : () -> ()
    "tpu.region"() ({
      %run_scoped3A = tpu.sem_alloc : memref<!tpu.dma_semaphore, #tpu.memory_space<semaphore_mem>>
      %dma_start3A = arith.constant 0 : i32
      %dma_start3A_13 = arith.constant 0 : i32
      %dma_start3A_14 = tpu.memref_slice %arg4[%add3A, %dma_start3A, %dma_start3A_13] : memref<32x79x128xi32, #tpu.memory_space<hbm>> -> memref<1x79x128xi32, #tpu.memory_space<hbm>>
      %dma_start3A_15 = tpu.memref_squeeze %dma_start3A_14 : memref<1x79x128xi32, #tpu.memory_space<hbm>> -> memref<79x128xi32, #tpu.memory_space<hbm>>
      %dma_start3A_16 = arith.constant 0 : i32
      %dma_start3A_17 = arith.constant 0 : i32
      %dma_start3A_18 = tpu.memref_slice %arg4[%add3A, %dma_start3A_16, %dma_start3A_17] : memref<32x79x128xi32, #tpu.memory_space<hbm>> -> memref<1x79x128xi32, #tpu.memory_space<hbm>>
      %dma_start3A_19 = tpu.memref_squeeze %dma_start3A_18 : memref<1x79x128xi32, #tpu.memory_space<hbm>> -> memref<79x128xi32, #tpu.memory_space<hbm>>
      tpu.enqueue_dma source(%dma_start3A_19 : memref<79x128xi32, #tpu.memory_space<hbm>>) target(%arg8 : memref<79x128xi32, #tpu.memory_space<vmem>>) target_semaphore(%run_scoped3A : memref<!tpu.dma_semaphore, #tpu.memory_space<semaphore_mem>>)
      %dma_wait3A = arith.constant 0 : i32
      %dma_wait3A_20 = arith.constant 0 : i32
      %dma_wait3A_21 = tpu.memref_slice %arg4[%add3A, %dma_wait3A, %dma_wait3A_20] : memref<32x79x128xi32, #tpu.memory_space<hbm>> -> memref<1x79x128xi32, #tpu.memory_space<hbm>>
      %dma_wait3A_22 = tpu.memref_squeeze %dma_wait3A_21 : memref<1x79x128xi32, #tpu.memory_space<hbm>> -> memref<79x128xi32, #tpu.memory_space<hbm>>
      %dma_wait3A_23 = arith.constant 0 : i32
      %dma_wait3A_24 = arith.constant 0 : i32
      %dma_wait3A_25 = tpu.memref_slice %arg4[%add3A, %dma_wait3A_23, %dma_wait3A_24] : memref<32x79x128xi32, #tpu.memory_space<hbm>> -> memref<1x79x128xi32, #tpu.memory_space<hbm>>
      %dma_wait3A_26 = tpu.memref_squeeze %dma_wait3A_25 : memref<1x79x128xi32, #tpu.memory_space<hbm>> -> memref<79x128xi32, #tpu.memory_space<hbm>>
      tpu.wait_dma2 semaphore(%run_scoped3A : memref<!tpu.dma_semaphore, #tpu.memory_space<semaphore_mem>>) src(%dma_wait3A_26 : memref<79x128xi32, #tpu.memory_space<hbm>>) dst(%arg8 : memref<79x128xi32, #tpu.memory_space<vmem>>)
      tpu.yield
    }) : () -> ()
    %mul3A_1 = arith.constant 640 : i32
    %mul3A_2 = arith.muli %arg1, %mul3A_1 : i32
    "tpu.region"() ({
      %run_scoped3A = tpu.sem_alloc : memref<!tpu.dma_semaphore, #tpu.memory_space<semaphore_mem>>
      %dma_start3A = arith.constant 0 : i32
      %dma_start3A_13 = tpu.memref_slice %arg10[%mul3A_2, %dma_start3A] : memref<10240x128xf32, #tpu.memory_space<vmem_shared>> -> memref<640x128xf32, #tpu.memory_space<vmem_shared>>
      tpu.enqueue_dma source(%arg5 : memref<640x128xf32, #tpu.memory_space<hbm>>) target(%dma_start3A_13 : memref<640x128xf32, #tpu.memory_space<vmem_shared>>) target_semaphore(%run_scoped3A : memref<!tpu.dma_semaphore, #tpu.memory_space<semaphore_mem>>)
      %dma_wait3A = arith.constant 0 : i32
      %dma_wait3A_14 = tpu.memref_slice %arg10[%mul3A_2, %dma_wait3A] : memref<10240x128xf32, #tpu.memory_space<vmem_shared>> -> memref<640x128xf32, #tpu.memory_space<vmem_shared>>
      tpu.wait_dma2 semaphore(%run_scoped3A : memref<!tpu.dma_semaphore, #tpu.memory_space<semaphore_mem>>) src(%arg5 : memref<640x128xf32, #tpu.memory_space<hbm>>) dst(%dma_wait3A_14 : memref<640x128xf32, #tpu.memory_space<vmem_shared>>)
      tpu.yield
    }) : () -> ()
    %barrier3A = arith.constant 0 : index
    tpu.barrier barrier_id(%barrier3A)
    %scan3A = arith.constant 0 : i32
    %scan3A_3 = arith.constant 0 : i32
    %scan3A_4 = arith.constant 79 : i32
    %scan3A_5 = arith.addi %scan3A_3, %scan3A_4 : i32
    %scan3A_6 = arith.constant 1 : i32
    scf.for %scan3A_13 = %scan3A_3 to %scan3A_5 step %scan3A_6  : i32 {
      %dma_start3A = arith.constant 0 : i32
      %dma_start3A_14 = tpu.memref_slice %arg7[%scan3A_13, %dma_start3A] : memref<79x128xi32, #tpu.memory_space<vmem>> -> memref<1x128xi32, #tpu.memory_space<vmem>>
      %dma_start3A_15 = tpu.memref_squeeze %dma_start3A_14 : memref<1x128xi32, #tpu.memory_space<vmem>> -> memref<128xi32, #tpu.memory_space<vmem>>
      %dma_start3A_16 = arith.constant 0 : i32
      %dma_start3A_17 = arith.constant 0 : i32
      %dma_start3A_18 = tpu.memref_slice %arg2[%dma_start3A_16, %dma_start3A_17] : memref<323584x128xf32, #tpu.memory_space<hbm>> -> memref<323584x128xf32, #tpu.memory_space<hbm>>
      tpu.enqueue_indirect_dma source(%dma_start3A_18 : memref<323584x128xf32, #tpu.memory_space<hbm>>) target(%arg9 : memref<128x128xf32, #tpu.memory_space<vmem>>) offsets(%dma_start3A_15 : memref<128xi32, #tpu.memory_space<vmem>>) semaphore(%arg11 : memref<!tpu.dma_semaphore, #tpu.memory_space<semaphore_mem>>)
      %dma_wait3A = arith.constant 0 : i32
      %dma_wait3A_19 = tpu.memref_slice %arg7[%scan3A_13, %dma_wait3A] : memref<79x128xi32, #tpu.memory_space<vmem>> -> memref<1x128xi32, #tpu.memory_space<vmem>>
      %dma_wait3A_20 = tpu.memref_squeeze %dma_wait3A_19 : memref<1x128xi32, #tpu.memory_space<vmem>> -> memref<128xi32, #tpu.memory_space<vmem>>
      %dma_wait3A_21 = arith.constant 0 : i32
      %dma_wait3A_22 = arith.constant 0 : i32
      %dma_wait3A_23 = tpu.memref_slice %arg2[%dma_wait3A_21, %dma_wait3A_22] : memref<323584x128xf32, #tpu.memory_space<hbm>> -> memref<323584x128xf32, #tpu.memory_space<hbm>>
      tpu.wait_indirect_dma semaphore(%arg11 : memref<!tpu.dma_semaphore, #tpu.memory_space<semaphore_mem>>) src(%dma_wait3A_23 : memref<323584x128xf32, #tpu.memory_space<hbm>>) dst(%arg9 : memref<128x128xf32, #tpu.memory_space<vmem>>)
      "tpu.region"() ({
        %run_scoped3A = tpu.sem_alloc : memref<!tpu.dma_semaphore, #tpu.memory_space<semaphore_mem>>
        %dma_start3A_24 = arith.constant 0 : i32
        %dma_start3A_25 = tpu.memref_slice %arg8[%scan3A_13, %dma_start3A_24] : memref<79x128xi32, #tpu.memory_space<vmem>> -> memref<1x128xi32, #tpu.memory_space<vmem>>
        %dma_start3A_26 = tpu.memref_squeeze %dma_start3A_25 : memref<1x128xi32, #tpu.memory_space<vmem>> -> memref<128xi32, #tpu.memory_space<vmem>>
        %dma_start3A_27 = arith.constant 0 : i32
        %dma_start3A_28 = arith.constant 0 : i32
        %dma_start3A_29 = tpu.memref_slice %arg10[%dma_start3A_27, %dma_start3A_28] : memref<10240x128xf32, #tpu.memory_space<vmem_shared>> -> memref<10240x128xf32, #tpu.memory_space<vmem_shared>>
        tpu.enqueue_indirect_dma source(%arg9 : memref<128x128xf32, #tpu.memory_space<vmem>>) target(%dma_start3A_29 : memref<10240x128xf32, #tpu.memory_space<vmem_shared>>) offsets(%dma_start3A_26 : memref<128xi32, #tpu.memory_space<vmem>>) semaphore(%run_scoped3A : memref<!tpu.dma_semaphore, #tpu.memory_space<semaphore_mem>>) {add = true}
        %dma_wait3A_30 = arith.constant 0 : i32
        %dma_wait3A_31 = tpu.memref_slice %arg8[%scan3A_13, %dma_wait3A_30] : memref<79x128xi32, #tpu.memory_space<vmem>> -> memref<1x128xi32, #tpu.memory_space<vmem>>
        %dma_wait3A_32 = tpu.memref_squeeze %dma_wait3A_31 : memref<1x128xi32, #tpu.memory_space<vmem>> -> memref<128xi32, #tpu.memory_space<vmem>>
        %dma_wait3A_33 = arith.constant 0 : i32
        %dma_wait3A_34 = arith.constant 0 : i32
        %dma_wait3A_35 = tpu.memref_slice %arg10[%dma_wait3A_33, %dma_wait3A_34] : memref<10240x128xf32, #tpu.memory_space<vmem_shared>> -> memref<10240x128xf32, #tpu.memory_space<vmem_shared>>
        tpu.wait_indirect_dma semaphore(%run_scoped3A : memref<!tpu.dma_semaphore, #tpu.memory_space<semaphore_mem>>) src(%arg9 : memref<128x128xf32, #tpu.memory_space<vmem>>) dst(%dma_wait3A_35 : memref<10240x128xf32, #tpu.memory_space<vmem_shared>>)
        tpu.yield
      }) : () -> ()
    }
    %scan3A_7 = arith.constant 79 : i32
    %barrier3A_8 = arith.constant 0 : index
    tpu.barrier barrier_id(%barrier3A_8)
    %mul3A_9 = arith.constant 640 : i32
    %mul3A_10 = arith.muli %arg1, %mul3A_9 : i32
    %mul3A_11 = arith.constant 640 : i32
    %mul3A_12 = arith.muli %arg1, %mul3A_11 : i32
    "tpu.region"() ({
      %run_scoped3A = tpu.sem_alloc : memref<!tpu.dma_semaphore, #tpu.memory_space<semaphore_mem>>
      %dma_start3A = arith.constant 0 : i32
      %dma_start3A_13 = tpu.memref_slice %arg6[%arg0, %mul3A_12, %dma_start3A] : memref<2x10240x128xf32, #tpu.memory_space<hbm>> -> memref<1x640x128xf32, #tpu.memory_space<hbm>>
      %dma_start3A_14 = tpu.memref_squeeze %dma_start3A_13 : memref<1x640x128xf32, #tpu.memory_space<hbm>> -> memref<640x128xf32, #tpu.memory_space<hbm>>
      %dma_start3A_15 = arith.constant 0 : i32
      %dma_start3A_16 = tpu.memref_slice %arg10[%mul3A_10, %dma_start3A_15] : memref<10240x128xf32, #tpu.memory_space<vmem_shared>> -> memref<640x128xf32, #tpu.memory_space<vmem_shared>>
      tpu.enqueue_dma source(%dma_start3A_16 : memref<640x128xf32, #tpu.memory_space<vmem_shared>>) target(%dma_start3A_14 : memref<640x128xf32, #tpu.memory_space<hbm>>) target_semaphore(%run_scoped3A : memref<!tpu.dma_semaphore, #tpu.memory_space<semaphore_mem>>)
      %dma_wait3A = arith.constant 0 : i32
      %dma_wait3A_17 = tpu.memref_slice %arg6[%arg0, %mul3A_12, %dma_wait3A] : memref<2x10240x128xf32, #tpu.memory_space<hbm>> -> memref<1x640x128xf32, #tpu.memory_space<hbm>>
      %dma_wait3A_18 = tpu.memref_squeeze %dma_wait3A_17 : memref<1x640x128xf32, #tpu.memory_space<hbm>> -> memref<640x128xf32, #tpu.memory_space<hbm>>
      %dma_wait3A_19 = arith.constant 0 : i32
      %dma_wait3A_20 = tpu.memref_slice %arg10[%mul3A_10, %dma_wait3A_19] : memref<10240x128xf32, #tpu.memory_space<vmem_shared>> -> memref<640x128xf32, #tpu.memory_space<vmem_shared>>
      tpu.wait_dma2 semaphore(%run_scoped3A : memref<!tpu.dma_semaphore, #tpu.memory_space<semaphore_mem>>) src(%dma_wait3A_20 : memref<640x128xf32, #tpu.memory_space<vmem_shared>>) dst(%dma_wait3A_18 : memref<640x128xf32, #tpu.memory_space<hbm>>)
      tpu.yield
    }) : () -> ()
    return
  }
}

#map = affine_map<(d0, d1) -> (0, 0)>
#map1 = affine_map<(d0, d1) -> (0, 0, 0)>
module attributes {stable_mosaic.version = 14 : i64} {
  func.func @_sc_spmm(%arg0: i32, %arg1: i32, %arg2: memref<10000x128xf32, #tpu.memory_space<hbm>>, %arg3: memref<32x79x128xi32, #tpu.memory_space<hbm>>, %arg4: memref<32x79x128xi32, #tpu.memory_space<hbm>>, %arg5: memref<640x128xf32, #tpu.memory_space<hbm>>, %arg6: memref<2x10240x128xf32, #tpu.memory_space<hbm>>, %arg7: memref<79x128xi32, #tpu.memory_space<vmem>>, %arg8: memref<79x128xi32, #tpu.memory_space<vmem>>, %arg9: memref<128x128xf32, #tpu.memory_space<vmem>>, %arg10: memref<10240x128xf32, #tpu.memory_space<vmem_shared>>, %arg11: memref<!tpu.dma_semaphore, #tpu.memory_space<semaphore_mem>>) attributes {dimension_semantics = [#tpu.dimension_semantics<core_parallel>, #tpu.dimension_semantics<subcore_parallel>], iteration_bounds = array<i64: 2, 16>, scalar_prefetch = 0 : i64, scratch_operands = 5 : i64, tpu.core_type = #tpu.core_type<sc_vector_subcore>, window_params = [{transform_indices = #map}, {transform_indices = #map1}, {transform_indices = #map1}, {transform_indices = #map}, {transform_indices = #map1}]} {
    %mul3A = arith.constant 2 : i32
    %mul3A_0 = arith.muli %arg1, %mul3A : i32
    %add3A = arith.addi %mul3A_0, %arg0 : i32
    "tpu.region"() ({
      %run_scoped3A = tpu.sem_alloc : memref<!tpu.dma_semaphore, #tpu.memory_space<semaphore_mem>>
      %dma_start3A = arith.constant 0 : i32
      %dma_start3A_13 = arith.constant 0 : i32
      %dma_start3A_14 = tpu.memref_slice %arg3[%add3A, %dma_start3A, %dma_start3A_13] : memref<32x79x128xi32, #tpu.memory_space<hbm>> -> memref<1x79x128xi32, #tpu.memory_space<hbm>>
      %dma_start3A_15 = tpu.memref_squeeze %dma_start3A_14 : memref<1x79x128xi32, #tpu.memory_space<hbm>> -> memref<79x128xi32, #tpu.memory_space<hbm>>
      %dma_start3A_16 = arith.constant 0 : i32
      %dma_start3A_17 = arith.constant 0 : i32
      %dma_start3A_18 = tpu.memref_slice %arg3[%add3A, %dma_start3A_16, %dma_start3A_17] : memref<32x79x128xi32, #tpu.memory_space<hbm>> -> memref<1x79x128xi32, #tpu.memory_space<hbm>>
      %dma_start3A_19 = tpu.memref_squeeze %dma_start3A_18 : memref<1x79x128xi32, #tpu.memory_space<hbm>> -> memref<79x128xi32, #tpu.memory_space<hbm>>
      tpu.enqueue_dma source(%dma_start3A_19 : memref<79x128xi32, #tpu.memory_space<hbm>>) target(%arg7 : memref<79x128xi32, #tpu.memory_space<vmem>>) target_semaphore(%run_scoped3A : memref<!tpu.dma_semaphore, #tpu.memory_space<semaphore_mem>>)
      %dma_wait3A = arith.constant 0 : i32
      %dma_wait3A_20 = arith.constant 0 : i32
      %dma_wait3A_21 = tpu.memref_slice %arg3[%add3A, %dma_wait3A, %dma_wait3A_20] : memref<32x79x128xi32, #tpu.memory_space<hbm>> -> memref<1x79x128xi32, #tpu.memory_space<hbm>>
      %dma_wait3A_22 = tpu.memref_squeeze %dma_wait3A_21 : memref<1x79x128xi32, #tpu.memory_space<hbm>> -> memref<79x128xi32, #tpu.memory_space<hbm>>
      %dma_wait3A_23 = arith.constant 0 : i32
      %dma_wait3A_24 = arith.constant 0 : i32
      %dma_wait3A_25 = tpu.memref_slice %arg3[%add3A, %dma_wait3A_23, %dma_wait3A_24] : memref<32x79x128xi32, #tpu.memory_space<hbm>> -> memref<1x79x128xi32, #tpu.memory_space<hbm>>
      %dma_wait3A_26 = tpu.memref_squeeze %dma_wait3A_25 : memref<1x79x128xi32, #tpu.memory_space<hbm>> -> memref<79x128xi32, #tpu.memory_space<hbm>>
      tpu.wait_dma2 semaphore(%run_scoped3A : memref<!tpu.dma_semaphore, #tpu.memory_space<semaphore_mem>>) src(%dma_wait3A_26 : memref<79x128xi32, #tpu.memory_space<hbm>>) dst(%arg7 : memref<79x128xi32, #tpu.memory_space<vmem>>)
      tpu.yield
    }) : () -> ()
    "tpu.region"() ({
      %run_scoped3A = tpu.sem_alloc : memref<!tpu.dma_semaphore, #tpu.memory_space<semaphore_mem>>
      %dma_start3A = arith.constant 0 : i32
      %dma_start3A_13 = arith.constant 0 : i32
      %dma_start3A_14 = tpu.memref_slice %arg4[%add3A, %dma_start3A, %dma_start3A_13] : memref<32x79x128xi32, #tpu.memory_space<hbm>> -> memref<1x79x128xi32, #tpu.memory_space<hbm>>
      %dma_start3A_15 = tpu.memref_squeeze %dma_start3A_14 : memref<1x79x128xi32, #tpu.memory_space<hbm>> -> memref<79x128xi32, #tpu.memory_space<hbm>>
      %dma_start3A_16 = arith.constant 0 : i32
      %dma_start3A_17 = arith.constant 0 : i32
      %dma_start3A_18 = tpu.memref_slice %arg4[%add3A, %dma_start3A_16, %dma_start3A_17] : memref<32x79x128xi32, #tpu.memory_space<hbm>> -> memref<1x79x128xi32, #tpu.memory_space<hbm>>
      %dma_start3A_19 = tpu.memref_squeeze %dma_start3A_18 : memref<1x79x128xi32, #tpu.memory_space<hbm>> -> memref<79x128xi32, #tpu.memory_space<hbm>>
      tpu.enqueue_dma source(%dma_start3A_19 : memref<79x128xi32, #tpu.memory_space<hbm>>) target(%arg8 : memref<79x128xi32, #tpu.memory_space<vmem>>) target_semaphore(%run_scoped3A : memref<!tpu.dma_semaphore, #tpu.memory_space<semaphore_mem>>)
      %dma_wait3A = arith.constant 0 : i32
      %dma_wait3A_20 = arith.constant 0 : i32
      %dma_wait3A_21 = tpu.memref_slice %arg4[%add3A, %dma_wait3A, %dma_wait3A_20] : memref<32x79x128xi32, #tpu.memory_space<hbm>> -> memref<1x79x128xi32, #tpu.memory_space<hbm>>
      %dma_wait3A_22 = tpu.memref_squeeze %dma_wait3A_21 : memref<1x79x128xi32, #tpu.memory_space<hbm>> -> memref<79x128xi32, #tpu.memory_space<hbm>>
      %dma_wait3A_23 = arith.constant 0 : i32
      %dma_wait3A_24 = arith.constant 0 : i32
      %dma_wait3A_25 = tpu.memref_slice %arg4[%add3A, %dma_wait3A_23, %dma_wait3A_24] : memref<32x79x128xi32, #tpu.memory_space<hbm>> -> memref<1x79x128xi32, #tpu.memory_space<hbm>>
      %dma_wait3A_26 = tpu.memref_squeeze %dma_wait3A_25 : memref<1x79x128xi32, #tpu.memory_space<hbm>> -> memref<79x128xi32, #tpu.memory_space<hbm>>
      tpu.wait_dma2 semaphore(%run_scoped3A : memref<!tpu.dma_semaphore, #tpu.memory_space<semaphore_mem>>) src(%dma_wait3A_26 : memref<79x128xi32, #tpu.memory_space<hbm>>) dst(%arg8 : memref<79x128xi32, #tpu.memory_space<vmem>>)
      tpu.yield
    }) : () -> ()
    %mul3A_1 = arith.constant 640 : i32
    %mul3A_2 = arith.muli %arg1, %mul3A_1 : i32
    "tpu.region"() ({
      %run_scoped3A = tpu.sem_alloc : memref<!tpu.dma_semaphore, #tpu.memory_space<semaphore_mem>>
      %dma_start3A = arith.constant 0 : i32
      %dma_start3A_13 = tpu.memref_slice %arg10[%mul3A_2, %dma_start3A] : memref<10240x128xf32, #tpu.memory_space<vmem_shared>> -> memref<640x128xf32, #tpu.memory_space<vmem_shared>>
      tpu.enqueue_dma source(%arg5 : memref<640x128xf32, #tpu.memory_space<hbm>>) target(%dma_start3A_13 : memref<640x128xf32, #tpu.memory_space<vmem_shared>>) target_semaphore(%run_scoped3A : memref<!tpu.dma_semaphore, #tpu.memory_space<semaphore_mem>>)
      %dma_wait3A = arith.constant 0 : i32
      %dma_wait3A_14 = tpu.memref_slice %arg10[%mul3A_2, %dma_wait3A] : memref<10240x128xf32, #tpu.memory_space<vmem_shared>> -> memref<640x128xf32, #tpu.memory_space<vmem_shared>>
      tpu.wait_dma2 semaphore(%run_scoped3A : memref<!tpu.dma_semaphore, #tpu.memory_space<semaphore_mem>>) src(%arg5 : memref<640x128xf32, #tpu.memory_space<hbm>>) dst(%dma_wait3A_14 : memref<640x128xf32, #tpu.memory_space<vmem_shared>>)
      tpu.yield
    }) : () -> ()
    %barrier3A = arith.constant 0 : index
    tpu.barrier barrier_id(%barrier3A)
    %scan3A = arith.constant 0 : i32
    %scan3A_3 = arith.constant 0 : i32
    %scan3A_4 = arith.constant 79 : i32
    %scan3A_5 = arith.addi %scan3A_3, %scan3A_4 : i32
    %scan3A_6 = arith.constant 1 : i32
    scf.for %scan3A_13 = %scan3A_3 to %scan3A_5 step %scan3A_6  : i32 {
      %dma_start3A = arith.constant 0 : i32
      %dma_start3A_14 = tpu.memref_slice %arg7[%scan3A_13, %dma_start3A] : memref<79x128xi32, #tpu.memory_space<vmem>> -> memref<1x128xi32, #tpu.memory_space<vmem>>
      %dma_start3A_15 = tpu.memref_squeeze %dma_start3A_14 : memref<1x128xi32, #tpu.memory_space<vmem>> -> memref<128xi32, #tpu.memory_space<vmem>>
      %dma_start3A_16 = arith.constant 0 : i32
      %dma_start3A_17 = arith.constant 0 : i32
      %dma_start3A_18 = tpu.memref_slice %arg2[%dma_start3A_16, %dma_start3A_17] : memref<10000x128xf32, #tpu.memory_space<hbm>> -> memref<10000x128xf32, #tpu.memory_space<hbm>>
      tpu.enqueue_indirect_dma source(%dma_start3A_18 : memref<10000x128xf32, #tpu.memory_space<hbm>>) target(%arg9 : memref<128x128xf32, #tpu.memory_space<vmem>>) offsets(%dma_start3A_15 : memref<128xi32, #tpu.memory_space<vmem>>) semaphore(%arg11 : memref<!tpu.dma_semaphore, #tpu.memory_space<semaphore_mem>>)
      %dma_wait3A = arith.constant 0 : i32
      %dma_wait3A_19 = tpu.memref_slice %arg7[%scan3A_13, %dma_wait3A] : memref<79x128xi32, #tpu.memory_space<vmem>> -> memref<1x128xi32, #tpu.memory_space<vmem>>
      %dma_wait3A_20 = tpu.memref_squeeze %dma_wait3A_19 : memref<1x128xi32, #tpu.memory_space<vmem>> -> memref<128xi32, #tpu.memory_space<vmem>>
      %dma_wait3A_21 = arith.constant 0 : i32
      %dma_wait3A_22 = arith.constant 0 : i32
      %dma_wait3A_23 = tpu.memref_slice %arg2[%dma_wait3A_21, %dma_wait3A_22] : memref<10000x128xf32, #tpu.memory_space<hbm>> -> memref<10000x128xf32, #tpu.memory_space<hbm>>
      tpu.wait_indirect_dma semaphore(%arg11 : memref<!tpu.dma_semaphore, #tpu.memory_space<semaphore_mem>>) src(%dma_wait3A_23 : memref<10000x128xf32, #tpu.memory_space<hbm>>) dst(%arg9 : memref<128x128xf32, #tpu.memory_space<vmem>>)
      "tpu.region"() ({
        %run_scoped3A = tpu.sem_alloc : memref<!tpu.dma_semaphore, #tpu.memory_space<semaphore_mem>>
        %dma_start3A_24 = arith.constant 0 : i32
        %dma_start3A_25 = tpu.memref_slice %arg8[%scan3A_13, %dma_start3A_24] : memref<79x128xi32, #tpu.memory_space<vmem>> -> memref<1x128xi32, #tpu.memory_space<vmem>>
        %dma_start3A_26 = tpu.memref_squeeze %dma_start3A_25 : memref<1x128xi32, #tpu.memory_space<vmem>> -> memref<128xi32, #tpu.memory_space<vmem>>
        %dma_start3A_27 = arith.constant 0 : i32
        %dma_start3A_28 = arith.constant 0 : i32
        %dma_start3A_29 = tpu.memref_slice %arg10[%dma_start3A_27, %dma_start3A_28] : memref<10240x128xf32, #tpu.memory_space<vmem_shared>> -> memref<10240x128xf32, #tpu.memory_space<vmem_shared>>
        tpu.enqueue_indirect_dma source(%arg9 : memref<128x128xf32, #tpu.memory_space<vmem>>) target(%dma_start3A_29 : memref<10240x128xf32, #tpu.memory_space<vmem_shared>>) offsets(%dma_start3A_26 : memref<128xi32, #tpu.memory_space<vmem>>) semaphore(%run_scoped3A : memref<!tpu.dma_semaphore, #tpu.memory_space<semaphore_mem>>) {add = true}
        %dma_wait3A_30 = arith.constant 0 : i32
        %dma_wait3A_31 = tpu.memref_slice %arg8[%scan3A_13, %dma_wait3A_30] : memref<79x128xi32, #tpu.memory_space<vmem>> -> memref<1x128xi32, #tpu.memory_space<vmem>>
        %dma_wait3A_32 = tpu.memref_squeeze %dma_wait3A_31 : memref<1x128xi32, #tpu.memory_space<vmem>> -> memref<128xi32, #tpu.memory_space<vmem>>
        %dma_wait3A_33 = arith.constant 0 : i32
        %dma_wait3A_34 = arith.constant 0 : i32
        %dma_wait3A_35 = tpu.memref_slice %arg10[%dma_wait3A_33, %dma_wait3A_34] : memref<10240x128xf32, #tpu.memory_space<vmem_shared>> -> memref<10240x128xf32, #tpu.memory_space<vmem_shared>>
        tpu.wait_indirect_dma semaphore(%run_scoped3A : memref<!tpu.dma_semaphore, #tpu.memory_space<semaphore_mem>>) src(%arg9 : memref<128x128xf32, #tpu.memory_space<vmem>>) dst(%dma_wait3A_35 : memref<10240x128xf32, #tpu.memory_space<vmem_shared>>)
        tpu.yield
      }) : () -> ()
    }
    %scan3A_7 = arith.constant 79 : i32
    %barrier3A_8 = arith.constant 0 : index
    tpu.barrier barrier_id(%barrier3A_8)
    %mul3A_9 = arith.constant 640 : i32
    %mul3A_10 = arith.muli %arg1, %mul3A_9 : i32
    %mul3A_11 = arith.constant 640 : i32
    %mul3A_12 = arith.muli %arg1, %mul3A_11 : i32
    "tpu.region"() ({
      %run_scoped3A = tpu.sem_alloc : memref<!tpu.dma_semaphore, #tpu.memory_space<semaphore_mem>>
      %dma_start3A = arith.constant 0 : i32
      %dma_start3A_13 = tpu.memref_slice %arg6[%arg0, %mul3A_12, %dma_start3A] : memref<2x10240x128xf32, #tpu.memory_space<hbm>> -> memref<1x640x128xf32, #tpu.memory_space<hbm>>
      %dma_start3A_14 = tpu.memref_squeeze %dma_start3A_13 : memref<1x640x128xf32, #tpu.memory_space<hbm>> -> memref<640x128xf32, #tpu.memory_space<hbm>>
      %dma_start3A_15 = arith.constant 0 : i32
      %dma_start3A_16 = tpu.memref_slice %arg10[%mul3A_10, %dma_start3A_15] : memref<10240x128xf32, #tpu.memory_space<vmem_shared>> -> memref<640x128xf32, #tpu.memory_space<vmem_shared>>
      tpu.enqueue_dma source(%dma_start3A_16 : memref<640x128xf32, #tpu.memory_space<vmem_shared>>) target(%dma_start3A_14 : memref<640x128xf32, #tpu.memory_space<hbm>>) target_semaphore(%run_scoped3A : memref<!tpu.dma_semaphore, #tpu.memory_space<semaphore_mem>>)
      %dma_wait3A = arith.constant 0 : i32
      %dma_wait3A_17 = tpu.memref_slice %arg6[%arg0, %mul3A_12, %dma_wait3A] : memref<2x10240x128xf32, #tpu.memory_space<hbm>> -> memref<1x640x128xf32, #tpu.memory_space<hbm>>
      %dma_wait3A_18 = tpu.memref_squeeze %dma_wait3A_17 : memref<1x640x128xf32, #tpu.memory_space<hbm>> -> memref<640x128xf32, #tpu.memory_space<hbm>>
      %dma_wait3A_19 = arith.constant 0 : i32
      %dma_wait3A_20 = tpu.memref_slice %arg10[%mul3A_10, %dma_wait3A_19] : memref<10240x128xf32, #tpu.memory_space<vmem_shared>> -> memref<640x128xf32, #tpu.memory_space<vmem_shared>>
      tpu.wait_dma2 semaphore(%run_scoped3A : memref<!tpu.dma_semaphore, #tpu.memory_space<semaphore_mem>>) src(%dma_wait3A_20 : memref<640x128xf32, #tpu.memory_space<vmem_shared>>) dst(%dma_wait3A_18 : memref<640x128xf32, #tpu.memory_space<hbm>>)
      tpu.yield
    }) : () -> ()
    return
  }
}

module attributes {stable_mosaic.version = 14 : i64} {
  func.func @_tc_round_body(%arg0: i32, %arg1: memref<1000x128xf32, #tpu.memory_space<vmem>>, %arg2: memref<2x1000x128xf32, #tpu.memory_space<vmem>>, %arg3: memref<2x1000x128xf32, #tpu.memory_space<vmem>>, %arg4: memref<128x128xf32, #tpu.memory_space<vmem>>, %arg5: memref<128x128xf32, #tpu.memory_space<vmem>>, %arg6: memref<128x128xf32, #tpu.memory_space<vmem>>, %arg7: memref<128x128xf32, #tpu.memory_space<vmem>>, %arg8: memref<128x128xf32, #tpu.memory_space<vmem>>, %arg9: memref<1x128xf32, #tpu.memory_space<vmem>>, %arg10: memref<1000x128xf32, #tpu.memory_space<vmem>>) attributes {dimension_semantics = [#tpu.dimension_semantics<arbitrary>], iteration_bounds = array<i64: 10>, scalar_prefetch = 0 : i64, scratch_operands = 0 : i64, tpu.core_type = #tpu.core_type<tc>, window_params = [{transform_indices = @transform_0, window_bounds = array<i64: 1000, 128>}, {transform_indices = @transform_1, window_bounds = array<i64: 2, 1000, 128>}, {transform_indices = @transform_2, window_bounds = array<i64: 2, 1000, 128>}, {pipeline_mode = #tpu.pipeline_mode<synchronous>, transform_indices = @transform_3, window_bounds = array<i64: 128, 128>}, {pipeline_mode = #tpu.pipeline_mode<synchronous>, transform_indices = @transform_4, window_bounds = array<i64: 128, 128>}, {pipeline_mode = #tpu.pipeline_mode<synchronous>, transform_indices = @transform_5, window_bounds = array<i64: 128, 128>}, {pipeline_mode = #tpu.pipeline_mode<synchronous>, transform_indices = @transform_6, window_bounds = array<i64: 128, 128>}, {pipeline_mode = #tpu.pipeline_mode<synchronous>, transform_indices = @transform_7, window_bounds = array<i64: 128, 128>}, {pipeline_mode = #tpu.pipeline_mode<synchronous>, transform_indices = @transform_8, window_bounds = array<i64: 1, 128>}, {transform_indices = @transform_9, window_bounds = array<i64: 1000, 128>}]} {
    %get3A = arith.constant 0 : index
    %get3A_0 = arith.constant 0 : index
    %get3A_1 = vector.load %arg1[%get3A, %get3A_0] : memref<1000x128xf32, #tpu.memory_space<vmem>>, vector<1000x128xf32>
    %get3A_2 = arith.constant 0 : index
    %get3A_3 = arith.constant 0 : index
    %get3A_4 = arith.constant 0 : index
    %get3A_5 = vector.load %arg2[%get3A_2, %get3A_3, %get3A_4] : memref<2x1000x128xf32, #tpu.memory_space<vmem>>, vector<1x1000x128xf32>
    %get3A_6 = vector.shape_cast %get3A_5 : vector<1x1000x128xf32> to vector<1000x128xf32>
    %get3A_7 = arith.constant 1 : index
    %get3A_8 = arith.constant 0 : index
    %get3A_9 = arith.constant 0 : index
    %get3A_10 = vector.load %arg2[%get3A_7, %get3A_8, %get3A_9] : memref<2x1000x128xf32, #tpu.memory_space<vmem>>, vector<1x1000x128xf32>
    %get3A_11 = vector.shape_cast %get3A_10 : vector<1x1000x128xf32> to vector<1000x128xf32>
    %add3A = arith.addf %get3A_6, %get3A_11 : vector<1000x128xf32>
    %get3A_12 = arith.constant 0 : index
    %get3A_13 = arith.constant 0 : index
    %get3A_14 = arith.constant 0 : index
    %get3A_15 = vector.load %arg3[%get3A_12, %get3A_13, %get3A_14] : memref<2x1000x128xf32, #tpu.memory_space<vmem>>, vector<1x1000x128xf32>
    %get3A_16 = vector.shape_cast %get3A_15 : vector<1x1000x128xf32> to vector<1000x128xf32>
    %get3A_17 = arith.constant 1 : index
    %get3A_18 = arith.constant 0 : index
    %get3A_19 = arith.constant 0 : index
    %get3A_20 = vector.load %arg3[%get3A_17, %get3A_18, %get3A_19] : memref<2x1000x128xf32, #tpu.memory_space<vmem>>, vector<1x1000x128xf32>
    %get3A_21 = vector.shape_cast %get3A_20 : vector<1x1000x128xf32> to vector<1000x128xf32>
    %add3A_22 = arith.addf %get3A_16, %get3A_21 : vector<1000x128xf32>
    %slice3A = vector.extract_strided_slice %add3A_22 {offsets = [0, 16], sizes = [1000, 1], strides = [1, 1]} : vector<1000x128xf32> to vector<1000x1xf32>
    %get3A_23 = arith.constant 0 : index
    %get3A_24 = arith.constant 0 : index
    %get3A_25 = vector.load %arg4[%get3A_23, %get3A_24] : memref<128x128xf32, #tpu.memory_space<vmem>>, vector<128x128xf32>
    %dot_general3A = arith.constant dense<0.000000e+00> : vector<1000x128xf32>
    %dot_general3A_26 = tpu.matmul %get3A_1, %get3A_25, %dot_general3A {dimension_numbers = #tpu.dot_dimension_numbers<[1], [0], [0], [1], [0, 0, 1, 1], [], []>, transpose_lhs_hint = false} : vector<1000x128xf32>, vector<128x128xf32>, vector<1000x128xf32> -> vector<1000x128xf32>
    %mul3A = vector.broadcast %slice3A : vector<1000x1xf32> to vector<1000x128xf32>
    %mul3A_27 = arith.mulf %mul3A, %dot_general3A_26 : vector<1000x128xf32>
    %get3A_28 = arith.constant 0 : index
    %get3A_29 = arith.constant 0 : index
    %get3A_30 = vector.load %arg5[%get3A_28, %get3A_29] : memref<128x128xf32, #tpu.memory_space<vmem>>, vector<128x128xf32>
    %dot_general3A_31 = arith.constant dense<0.000000e+00> : vector<1000x128xf32>
    %dot_general3A_32 = tpu.matmul %add3A, %get3A_30, %dot_general3A_31 {dimension_numbers = #tpu.dot_dimension_numbers<[1], [0], [0], [1], [0, 0, 1, 1], [], []>, transpose_lhs_hint = false} : vector<1000x128xf32>, vector<128x128xf32>, vector<1000x128xf32> -> vector<1000x128xf32>
    %add3A_33 = arith.addf %mul3A_27, %dot_general3A_32 : vector<1000x128xf32>
    %get3A_34 = arith.constant 0 : index
    %get3A_35 = arith.constant 0 : index
    %get3A_36 = vector.load %arg6[%get3A_34, %get3A_35] : memref<128x128xf32, #tpu.memory_space<vmem>>, vector<128x128xf32>
    %dot_general3A_37 = arith.constant dense<0.000000e+00> : vector<1000x128xf32>
    %dot_general3A_38 = tpu.matmul %add3A_22, %get3A_36, %dot_general3A_37 {dimension_numbers = #tpu.dot_dimension_numbers<[1], [0], [0], [1], [0, 0, 1, 1], [], []>, transpose_lhs_hint = false} : vector<1000x128xf32>, vector<128x128xf32>, vector<1000x128xf32> -> vector<1000x128xf32>
    %add3A_39 = arith.addf %add3A_33, %dot_general3A_38 : vector<1000x128xf32>
    %get3A_40 = arith.constant 0 : index
    %get3A_41 = arith.constant 0 : index
    %get3A_42 = vector.load %arg7[%get3A_40, %get3A_41] : memref<128x128xf32, #tpu.memory_space<vmem>>, vector<128x128xf32>
    %dot_general3A_43 = arith.constant dense<0.000000e+00> : vector<1000x128xf32>
    %dot_general3A_44 = tpu.matmul %get3A_1, %get3A_42, %dot_general3A_43 {dimension_numbers = #tpu.dot_dimension_numbers<[1], [0], [0], [1], [0, 0, 1, 1], [], []>, transpose_lhs_hint = false} : vector<1000x128xf32>, vector<128x128xf32>, vector<1000x128xf32> -> vector<1000x128xf32>
    %get3A_45 = arith.constant 0 : index
    %get3A_46 = arith.constant 0 : index
    %get3A_47 = vector.load %arg8[%get3A_45, %get3A_46] : memref<128x128xf32, #tpu.memory_space<vmem>>, vector<128x128xf32>
    %dot_general3A_48 = arith.constant dense<0.000000e+00> : vector<1000x128xf32>
    %dot_general3A_49 = tpu.matmul %add3A_39, %get3A_47, %dot_general3A_48 {dimension_numbers = #tpu.dot_dimension_numbers<[1], [0], [0], [1], [0, 0, 1, 1], [], []>, transpose_lhs_hint = false} : vector<1000x128xf32>, vector<128x128xf32>, vector<1000x128xf32> -> vector<1000x128xf32>
    %add3A_50 = arith.addf %dot_general3A_44, %dot_general3A_49 : vector<1000x128xf32>
    %get3A_51 = arith.constant 0 : index
    %get3A_52 = arith.constant 0 : index
    %get3A_53 = vector.load %arg9[%get3A_51, %get3A_52] : memref<1x128xf32, #tpu.memory_space<vmem>>, vector<1x128xf32>
    %add3A_54 = vector.broadcast %get3A_53 : vector<1x128xf32> to vector<1000x128xf32>
    %add3A_55 = arith.addf %add3A_50, %add3A_54 : vector<1000x128xf32>
    %max3A = arith.constant 0.000000e+00 : f32
    %max3A_56 = vector.broadcast %max3A : f32 to vector<1000x128xf32>
    %max3A_57 = arith.maximumf %add3A_55, %max3A_56 : vector<1000x128xf32>
    %swap3A = arith.constant 0 : index
    %swap3A_58 = arith.constant 0 : index
    %swap3A_59 = vector.load %arg10[%swap3A, %swap3A_58] : memref<1000x128xf32, #tpu.memory_space<vmem>>, vector<1000x128xf32>
    tpu.vector_store %arg10[%swap3A, %swap3A_58], %max3A_57 {strides = array<i32>} : memref<1000x128xf32, #tpu.memory_space<vmem>>, vector<1000x128xf32>,
    return
  }
  func.func @transform_0(%arg0: i32) -> (i32, i32) {
    %c0_i32 = arith.constant 0 : i32
    %c0_i32_0 = arith.constant 0 : i32
    return %arg0, %c0_i32 : i32, i32
  }
  func.func @transform_1(%arg0: i32) -> (i32, i32, i32) {
    %c0_i32 = arith.constant 0 : i32
    %c0_i32_0 = arith.constant 0 : i32
    %c0_i32_1 = arith.constant 0 : i32
    return %c0_i32, %arg0, %c0_i32_0 : i32, i32, i32
  }
  func.func @transform_2(%arg0: i32) -> (i32, i32, i32) {
    %c0_i32 = arith.constant 0 : i32
    %c0_i32_0 = arith.constant 0 : i32
    %c0_i32_1 = arith.constant 0 : i32
    return %c0_i32, %arg0, %c0_i32_0 : i32, i32, i32
  }
  func.func @transform_3(%arg0: i32) -> (i32, i32) {
    %c0_i32 = arith.constant 0 : i32
    %c0_i32_0 = arith.constant 0 : i32
    %c0_i32_1 = arith.constant 0 : i32
    return %c0_i32, %c0_i32_0 : i32, i32
  }
  func.func @transform_4(%arg0: i32) -> (i32, i32) {
    %c0_i32 = arith.constant 0 : i32
    %c0_i32_0 = arith.constant 0 : i32
    %c0_i32_1 = arith.constant 0 : i32
    return %c0_i32, %c0_i32_0 : i32, i32
  }
  func.func @transform_5(%arg0: i32) -> (i32, i32) {
    %c0_i32 = arith.constant 0 : i32
    %c0_i32_0 = arith.constant 0 : i32
    %c0_i32_1 = arith.constant 0 : i32
    return %c0_i32, %c0_i32_0 : i32, i32
  }
  func.func @transform_6(%arg0: i32) -> (i32, i32) {
    %c0_i32 = arith.constant 0 : i32
    %c0_i32_0 = arith.constant 0 : i32
    %c0_i32_1 = arith.constant 0 : i32
    return %c0_i32, %c0_i32_0 : i32, i32
  }
  func.func @transform_7(%arg0: i32) -> (i32, i32) {
    %c0_i32 = arith.constant 0 : i32
    %c0_i32_0 = arith.constant 0 : i32
    %c0_i32_1 = arith.constant 0 : i32
    return %c0_i32, %c0_i32_0 : i32, i32
  }
  func.func @transform_8(%arg0: i32) -> (i32, i32) {
    %c0_i32 = arith.constant 0 : i32
    %c0_i32_0 = arith.constant 0 : i32
    %c0_i32_1 = arith.constant 0 : i32
    return %c0_i32, %c0_i32_0 : i32, i32
  }
  func.func @transform_9(%arg0: i32) -> (i32, i32) {
    %c0_i32 = arith.constant 0 : i32
    %c0_i32_0 = arith.constant 0 : i32
    return %arg0, %c0_i32 : i32, i32
  }
}

module attributes {stable_mosaic.version = 14 : i64} {
  func.func @_tc_round_body(%arg0: i32, %arg1: memref<1000x128xf32, #tpu.memory_space<vmem>>, %arg2: memref<2x1000x128xf32, #tpu.memory_space<vmem>>, %arg3: memref<2x1000x128xf32, #tpu.memory_space<vmem>>, %arg4: memref<128x128xf32, #tpu.memory_space<vmem>>, %arg5: memref<128x128xf32, #tpu.memory_space<vmem>>, %arg6: memref<128x128xf32, #tpu.memory_space<vmem>>, %arg7: memref<128x128xf32, #tpu.memory_space<vmem>>, %arg8: memref<128x128xf32, #tpu.memory_space<vmem>>, %arg9: memref<1x128xf32, #tpu.memory_space<vmem>>, %arg10: memref<1000x128xf32, #tpu.memory_space<vmem>>) attributes {dimension_semantics = [#tpu.dimension_semantics<arbitrary>], iteration_bounds = array<i64: 10>, scalar_prefetch = 0 : i64, scratch_operands = 0 : i64, tpu.core_type = #tpu.core_type<tc>, window_params = [{transform_indices = @transform_0, window_bounds = array<i64: 1000, 128>}, {transform_indices = @transform_1, window_bounds = array<i64: 2, 1000, 128>}, {transform_indices = @transform_2, window_bounds = array<i64: 2, 1000, 128>}, {pipeline_mode = #tpu.pipeline_mode<synchronous>, transform_indices = @transform_3, window_bounds = array<i64: 128, 128>}, {pipeline_mode = #tpu.pipeline_mode<synchronous>, transform_indices = @transform_4, window_bounds = array<i64: 128, 128>}, {pipeline_mode = #tpu.pipeline_mode<synchronous>, transform_indices = @transform_5, window_bounds = array<i64: 128, 128>}, {pipeline_mode = #tpu.pipeline_mode<synchronous>, transform_indices = @transform_6, window_bounds = array<i64: 128, 128>}, {pipeline_mode = #tpu.pipeline_mode<synchronous>, transform_indices = @transform_7, window_bounds = array<i64: 128, 128>}, {pipeline_mode = #tpu.pipeline_mode<synchronous>, transform_indices = @transform_8, window_bounds = array<i64: 1, 128>}, {transform_indices = @transform_9, window_bounds = array<i64: 1000, 128>}]} {
    %get3A = arith.constant 0 : index
    %get3A_0 = arith.constant 0 : index
    %get3A_1 = vector.load %arg1[%get3A, %get3A_0] : memref<1000x128xf32, #tpu.memory_space<vmem>>, vector<1000x128xf32>
    %get3A_2 = arith.constant 0 : index
    %get3A_3 = arith.constant 0 : index
    %get3A_4 = arith.constant 0 : index
    %get3A_5 = vector.load %arg2[%get3A_2, %get3A_3, %get3A_4] : memref<2x1000x128xf32, #tpu.memory_space<vmem>>, vector<1x1000x128xf32>
    %get3A_6 = vector.shape_cast %get3A_5 : vector<1x1000x128xf32> to vector<1000x128xf32>
    %get3A_7 = arith.constant 1 : index
    %get3A_8 = arith.constant 0 : index
    %get3A_9 = arith.constant 0 : index
    %get3A_10 = vector.load %arg2[%get3A_7, %get3A_8, %get3A_9] : memref<2x1000x128xf32, #tpu.memory_space<vmem>>, vector<1x1000x128xf32>
    %get3A_11 = vector.shape_cast %get3A_10 : vector<1x1000x128xf32> to vector<1000x128xf32>
    %add3A = arith.addf %get3A_6, %get3A_11 : vector<1000x128xf32>
    %get3A_12 = arith.constant 0 : index
    %get3A_13 = arith.constant 0 : index
    %get3A_14 = arith.constant 0 : index
    %get3A_15 = vector.load %arg3[%get3A_12, %get3A_13, %get3A_14] : memref<2x1000x128xf32, #tpu.memory_space<vmem>>, vector<1x1000x128xf32>
    %get3A_16 = vector.shape_cast %get3A_15 : vector<1x1000x128xf32> to vector<1000x128xf32>
    %get3A_17 = arith.constant 1 : index
    %get3A_18 = arith.constant 0 : index
    %get3A_19 = arith.constant 0 : index
    %get3A_20 = vector.load %arg3[%get3A_17, %get3A_18, %get3A_19] : memref<2x1000x128xf32, #tpu.memory_space<vmem>>, vector<1x1000x128xf32>
    %get3A_21 = vector.shape_cast %get3A_20 : vector<1x1000x128xf32> to vector<1000x128xf32>
    %add3A_22 = arith.addf %get3A_16, %get3A_21 : vector<1000x128xf32>
    %slice3A = vector.extract_strided_slice %add3A_22 {offsets = [0, 16], sizes = [1000, 1], strides = [1, 1]} : vector<1000x128xf32> to vector<1000x1xf32>
    %get3A_23 = arith.constant 0 : index
    %get3A_24 = arith.constant 0 : index
    %get3A_25 = vector.load %arg4[%get3A_23, %get3A_24] : memref<128x128xf32, #tpu.memory_space<vmem>>, vector<128x128xf32>
    %dot_general3A = arith.constant dense<0.000000e+00> : vector<1000x128xf32>
    %dot_general3A_26 = tpu.matmul %get3A_1, %get3A_25, %dot_general3A {dimension_numbers = #tpu.dot_dimension_numbers<[1], [0], [0], [1], [0, 0, 1, 1], [], []>, transpose_lhs_hint = false} : vector<1000x128xf32>, vector<128x128xf32>, vector<1000x128xf32> -> vector<1000x128xf32>
    %mul3A = vector.broadcast %slice3A : vector<1000x1xf32> to vector<1000x128xf32>
    %mul3A_27 = arith.mulf %mul3A, %dot_general3A_26 : vector<1000x128xf32>
    %get3A_28 = arith.constant 0 : index
    %get3A_29 = arith.constant 0 : index
    %get3A_30 = vector.load %arg5[%get3A_28, %get3A_29] : memref<128x128xf32, #tpu.memory_space<vmem>>, vector<128x128xf32>
    %dot_general3A_31 = arith.constant dense<0.000000e+00> : vector<1000x128xf32>
    %dot_general3A_32 = tpu.matmul %add3A, %get3A_30, %dot_general3A_31 {dimension_numbers = #tpu.dot_dimension_numbers<[1], [0], [0], [1], [0, 0, 1, 1], [], []>, transpose_lhs_hint = false} : vector<1000x128xf32>, vector<128x128xf32>, vector<1000x128xf32> -> vector<1000x128xf32>
    %add3A_33 = arith.addf %mul3A_27, %dot_general3A_32 : vector<1000x128xf32>
    %get3A_34 = arith.constant 0 : index
    %get3A_35 = arith.constant 0 : index
    %get3A_36 = vector.load %arg6[%get3A_34, %get3A_35] : memref<128x128xf32, #tpu.memory_space<vmem>>, vector<128x128xf32>
    %dot_general3A_37 = arith.constant dense<0.000000e+00> : vector<1000x128xf32>
    %dot_general3A_38 = tpu.matmul %add3A_22, %get3A_36, %dot_general3A_37 {dimension_numbers = #tpu.dot_dimension_numbers<[1], [0], [0], [1], [0, 0, 1, 1], [], []>, transpose_lhs_hint = false} : vector<1000x128xf32>, vector<128x128xf32>, vector<1000x128xf32> -> vector<1000x128xf32>
    %add3A_39 = arith.addf %add3A_33, %dot_general3A_38 : vector<1000x128xf32>
    %get3A_40 = arith.constant 0 : index
    %get3A_41 = arith.constant 0 : index
    %get3A_42 = vector.load %arg7[%get3A_40, %get3A_41] : memref<128x128xf32, #tpu.memory_space<vmem>>, vector<128x128xf32>
    %dot_general3A_43 = arith.constant dense<0.000000e+00> : vector<1000x128xf32>
    %dot_general3A_44 = tpu.matmul %get3A_1, %get3A_42, %dot_general3A_43 {dimension_numbers = #tpu.dot_dimension_numbers<[1], [0], [0], [1], [0, 0, 1, 1], [], []>, transpose_lhs_hint = false} : vector<1000x128xf32>, vector<128x128xf32>, vector<1000x128xf32> -> vector<1000x128xf32>
    %get3A_45 = arith.constant 0 : index
    %get3A_46 = arith.constant 0 : index
    %get3A_47 = vector.load %arg8[%get3A_45, %get3A_46] : memref<128x128xf32, #tpu.memory_space<vmem>>, vector<128x128xf32>
    %dot_general3A_48 = arith.constant dense<0.000000e+00> : vector<1000x128xf32>
    %dot_general3A_49 = tpu.matmul %add3A_39, %get3A_47, %dot_general3A_48 {dimension_numbers = #tpu.dot_dimension_numbers<[1], [0], [0], [1], [0, 0, 1, 1], [], []>, transpose_lhs_hint = false} : vector<1000x128xf32>, vector<128x128xf32>, vector<1000x128xf32> -> vector<1000x128xf32>
    %add3A_50 = arith.addf %dot_general3A_44, %dot_general3A_49 : vector<1000x128xf32>
    %get3A_51 = arith.constant 0 : index
    %get3A_52 = arith.constant 0 : index
    %get3A_53 = vector.load %arg9[%get3A_51, %get3A_52] : memref<1x128xf32, #tpu.memory_space<vmem>>, vector<1x128xf32>
    %add3A_54 = vector.broadcast %get3A_53 : vector<1x128xf32> to vector<1000x128xf32>
    %add3A_55 = arith.addf %add3A_50, %add3A_54 : vector<1000x128xf32>
    %max3A = arith.constant 0.000000e+00 : f32
    %max3A_56 = vector.broadcast %max3A : f32 to vector<1000x128xf32>
    %max3A_57 = arith.maximumf %add3A_55, %max3A_56 : vector<1000x128xf32>
    %swap3A = arith.constant 0 : index
    %swap3A_58 = arith.constant 0 : index
    %swap3A_59 = vector.load %arg10[%swap3A, %swap3A_58] : memref<1000x128xf32, #tpu.memory_space<vmem>>, vector<1000x128xf32>
    tpu.vector_store %arg10[%swap3A, %swap3A_58], %max3A_57 {strides = array<i32>} : memref<1000x128xf32, #tpu.memory_space<vmem>>, vector<1000x128xf32>,
    return
  }
  func.func @transform_0(%arg0: i32) -> (i32, i32) {
    %c0_i32 = arith.constant 0 : i32
    %c0_i32_0 = arith.constant 0 : i32
    return %arg0, %c0_i32 : i32, i32
  }
  func.func @transform_1(%arg0: i32) -> (i32, i32, i32) {
    %c0_i32 = arith.constant 0 : i32
    %c0_i32_0 = arith.constant 0 : i32
    %c0_i32_1 = arith.constant 0 : i32
    return %c0_i32, %arg0, %c0_i32_0 : i32, i32, i32
  }
  func.func @transform_2(%arg0: i32) -> (i32, i32, i32) {
    %c0_i32 = arith.constant 0 : i32
    %c0_i32_0 = arith.constant 0 : i32
    %c0_i32_1 = arith.constant 0 : i32
    return %c0_i32, %arg0, %c0_i32_0 : i32, i32, i32
  }
  func.func @transform_3(%arg0: i32) -> (i32, i32) {
    %c0_i32 = arith.constant 0 : i32
    %c0_i32_0 = arith.constant 0 : i32
    %c0_i32_1 = arith.constant 0 : i32
    return %c0_i32, %c0_i32_0 : i32, i32
  }
  func.func @transform_4(%arg0: i32) -> (i32, i32) {
    %c0_i32 = arith.constant 0 : i32
    %c0_i32_0 = arith.constant 0 : i32
    %c0_i32_1 = arith.constant 0 : i32
    return %c0_i32, %c0_i32_0 : i32, i32
  }
  func.func @transform_5(%arg0: i32) -> (i32, i32) {
    %c0_i32 = arith.constant 0 : i32
    %c0_i32_0 = arith.constant 0 : i32
    %c0_i32_1 = arith.constant 0 : i32
    return %c0_i32, %c0_i32_0 : i32, i32
  }
  func.func @transform_6(%arg0: i32) -> (i32, i32) {
    %c0_i32 = arith.constant 0 : i32
    %c0_i32_0 = arith.constant 0 : i32
    %c0_i32_1 = arith.constant 0 : i32
    return %c0_i32, %c0_i32_0 : i32, i32
  }
  func.func @transform_7(%arg0: i32) -> (i32, i32) {
    %c0_i32 = arith.constant 0 : i32
    %c0_i32_0 = arith.constant 0 : i32
    %c0_i32_1 = arith.constant 0 : i32
    return %c0_i32, %c0_i32_0 : i32, i32
  }
  func.func @transform_8(%arg0: i32) -> (i32, i32) {
    %c0_i32 = arith.constant 0 : i32
    %c0_i32_0 = arith.constant 0 : i32
    %c0_i32_1 = arith.constant 0 : i32
    return %c0_i32, %c0_i32_0 : i32, i32
  }
  func.func @transform_9(%arg0: i32) -> (i32, i32) {
    %c0_i32 = arith.constant 0 : i32
    %c0_i32_0 = arith.constant 0 : i32
    return %arg0, %c0_i32 : i32, i32
  }
}

</mosaic_0001>

<sc_bundles>
// kernel: kernel.12.cloned.1.call-start
scs
__scs_entry_jumppad:
0x0: {  	(pc) =	sbr.rel $0x88, $3  }
0x1: {  	(tag) =	ssettag $0x0;
	lr =	simm.s32 $0x1  }
0x2: {  	[smem:$0x3F9A] =	sst lr;
	_ =	strace $0xD0000000  }
0x3: {  	_ = 	snop  }
0x4: {  	_ = 	snop  }
0x5: {  	_ = 	snop  }
0x6: {  	_ = 	snop  }
0x7: {  	_ = 	snop  }
__scs_overlays_trampoline_lowered:
0x8: {  	[smem:$0x3FA9] =	sst s0  }
0x9: {  	[smem:$0x3FAA] =	sst s1  }
0xa: {  	[smem:$0x3FAB] =	sst s2  }
0xb: {  	[smem:$0x3FAC] =	sst s3  }
0xc: {  	[smem:$0x3FAD] =	sst s4  }
0xd: {  	[smem:$0x3FAE] =	sst s5  }
0xe: {  	[smem:$0x3FAF] =	sst s6  }
0xf: {  	[smem:$0x3FB0] =	sst s7  }
0x10: {  	[smem:$0x3FB1] =	sst s8  }
0x11: {  	[smem:$0x3FB2] =	sst s9;
	s0 =	simm.s32 @!p0 $0x0  }
0x12: {  	s1 =	sld [smem:$0x3F98];
	s0 =	simm.s32 @p0 $0x1  }
0x13: {  	[smem:$0x3FB3] =	sst s0;
	s0 =	simm.s32 @!p1 $0x0  }
0x14: {  	s2 =	sld [smem:$0x3F97];
	s0 =	simm.s32 @p1 $0x1  }
0x15: {  	[smem:$0x3FB4] =	sst s0;
	s0 =	simm.s32 @!p2 $0x0  }
0x16: {  	s3 =	sld [smem:$0x3FDB];
	s0 =	simm.s32 @p2 $0x1  }
0x17: {  	s4 =	simm.s32 $0x1BF5;
	[smem:$0x3FB6] =	sst s0  }
0x18: {  	s0 =	sld [smem:$0x3F99];
	_ =	swait.ge [sflag:s4], $0x0  }
0x19: {  	s7 =	sld [smem:$0x3F9A]  }
0x1a: {  	s8 =	sadd.s32 $0xFFFFE003, lr  }
0x1b: {  	s9 =	sadd.s32 $0xFFFFFEF7, lr;
	s5 =	simm.s32 $0xFFFFFFFF;
	p2 =	slt.u32 s8, $0xFFFFF086  }
0x1c: {  	p1 =	slt.u32 s9, $0xF7A;
	s5 =	simm.s32 @!p2 $0x0  }
0x1d: {  	s5 =	simm.s32 @p1 $0x1;
	p0 =	seq.s32 s7, s2  }
0x1e: {  	s7 =	smul.u32 @!p0 $0xF7A, s2;
	p2 =	seq.s32 @!p0 s5, $0x0  }
0x1f: {  	s9 =	smul.u32 $0xF7A, s1;
	s8 =	simm.s32 @!p0 $0x1BF5;
	p2 =	por !p2, p0  }
0x20: {  	[sflag:s8] =	ssyncset.s32 @!p0 $0xFFFFF086;
	s6 =	sadd.s32 @!p0 s3, s7;
	s7 =	simm.s32 @!p0 $0x108  }
0x21: {  	s3 =	sadd.s32 s3, s9;
	s6 =	sadd.s32 @!p0 $0x88, s6;
	s7 =	simm.s32 @p2 $0x1082  }
0x22: {  	[simem:s7], [sflag:s8] =	dma.local @!p0 [hbm:s6], $0xF7A  }
0x23: {  	s9 =	sor.u32 $0xD0000000, s2;
	s6 =	simm.s32 $0x108;
	_ =	swait.ge @!p0 [sflag:s8], $0x0  }
0x24: {  	s3 =	sadd.s32 $0x88, s3;
	s6 =	simm.s32 @!p1 $0x1082;
	[sflag:s4] =	ssyncset.s32 $0xFFFFF086  }
0x25: {  	[simem:s6], [sflag:s4] =	dma.local [hbm:s3], $0xF7A  }
0x26: {  	[smem:$0x3F9A] =	sst s1;
	(tag) =	ssettag s2;
	_ =	strace s9  }
0x27: {  	s1 =	sld [smem:$0x3FAA]  }
0x28: {  	s2 =	sld [smem:$0x3FAB]  }
0x29: {  	s4 =	sld [smem:$0x3FAD]  }
0x2a: {  	p0 =	seq.s32 s5, $0x0;
	s5 =	sld [smem:$0x3FAE]  }
0x2b: {  	s6 =	sld [smem:$0x3FAF]  }
0x2c: {  	s7 =	sld [smem:$0x3FB0]  }
0x2d: {  	s3 =	simm.s32 $0x108;
	s8 =	sld [smem:$0x3FB1]  }
0x2e: {  	s3 =	simm.s32 @!p0 $0x1082;
	s9 =	sld [smem:$0x3FB2]  }
0x2f: {  	lr =	sadd.s32 s0, s3;
	s0 =	sld [smem:$0x3FA9]  }
0x30: {  	s3 =	sld [smem:$0x3FAC]  }
0x31: {  	[smem:$0x3FB5] =	sst s10  }
0x32: {  	s10 =	sld [smem:$0x3FB3];
	_ =	sdelay $0x3  }
0x33: {  	p0 =	seq.s32 s10, $0x1;
	s10 =	sld [smem:$0x3FB5];
	_ =	sdelay $0x3  }
0x34: {  	[smem:$0x3FB5] =	sst s10  }
0x35: {  	s10 =	sld [smem:$0x3FB4];
	_ =	sdelay $0x3  }
0x36: {  	p1 =	seq.s32 s10, $0x1;
	s10 =	sld [smem:$0x3FB5];
	_ =	sdelay $0x3  }
0x37: {  	[smem:$0x3FB5] =	sst s10  }
0x38: {  	s10 =	sld [smem:$0x3FB6]  }
0x39: {  	_ = 	snop;
	(pc) =	sbr.ind lr, $3  }
0x3a: {  	_ = 	snop  }
0x3b: {  	_ = 	snop  }
0x3c: {  	p2 =	seq.s32 s10, $0x1;
	s10 =	sld [smem:$0x3FB5]  }
0x3d: {  	_ =	shalt  }
0x3e: {  	_ =	shalt  }
0x3f: {  	_ =	shalt  }
0x40: {  	_ =	shalt  }
0x41: {  	_ =	shalt  }
0x42: {  	_ =	shalt  }
0x43: {  	_ =	shalt  }
0x44: {  	_ =	shalt  }
0x45: {  	_ =	shalt  }
0x46: {  	_ =	shalt  }
0x47: {  	_ =	shalt  }
0x48: {  	_ =	shalt  }
0x49: {  	_ =	shalt  }
0x4a: {  	_ =	shalt  }
0x4b: {  	_ =	shalt  }
0x4c: {  	_ =	shalt  }
0x4d: {  	_ =	shalt  }
0x4e: {  	_ =	shalt  }
0x4f: {  	_ =	shalt  }
0x50: {  	_ =	shalt  }
0x51: {  	_ =	shalt  }
0x52: {  	_ =	shalt  }
0x53: {  	_ =	shalt  }
0x54: {  	_ =	shalt  }
0x55: {  	_ =	shalt  }
0x56: {  	_ =	shalt  }
0x57: {  	_ =	shalt  }
0x58: {  	_ =	shalt  }
0x59: {  	_ =	shalt  }
0x5a: {  	_ =	shalt  }
0x5b: {  	_ =	shalt  }
0x5c: {  	_ =	shalt  }
0x5d: {  	_ =	shalt  }
0x5e: {  	_ =	shalt  }
0x5f: {  	_ =	shalt  }
0x60: {  	_ =	shalt  }
0x61: {  	_ =	shalt  }
0x62: {  	_ =	shalt  }
0x63: {  	_ =	shalt  }
0x64: {  	_ =	shalt  }
0x65: {  	_ =	shalt  }
0x66: {  	_ =	shalt  }
0x67: {  	_ =	shalt  }
0x68: {  	_ =	shalt  }
0x69: {  	_ =	shalt  }
0x6a: {  	_ =	shalt  }
0x6b: {  	_ =	shalt  }
0x6c: {  	_ =	shalt  }
0x6d: {  	_ =	shalt  }
0x6e: {  	_ =	shalt  }
0x6f: {  	_ =	shalt  }
0x70: {  	_ =	shalt  }
0x71: {  	_ =	shalt  }
0x72: {  	_ =	shalt  }
0x73: {  	_ =	shalt  }
0x74: {  	_ =	shalt  }
0x75: {  	_ =	shalt  }
0x76: {  	_ =	shalt  }
0x77: {  	_ =	shalt  }
0x78: {  	_ =	shalt  }
0x79: {  	_ =	shalt  }
0x7a: {  	_ =	shalt  }
0x7b: {  	_ =	shalt  }
0x7c: {  	_ =	shalt  }
0x7d: {  	_ =	shalt  }
0x7e: {  	_ =	shalt  }
0x7f: {  	_ =	shalt  }
0x80: {  	_ =	shalt  }
0x81: {  	_ =	shalt  }
0x82: {  	_ =	shalt  }
0x83: {  	_ =	shalt  }
0x84: {  	_ =	shalt  }
0x85: {  	_ =	shalt  }
0x86: {  	_ =	shalt  }
0x87: {  	_ =	shalt  }
.Lfunc_end0:
.L_simem_size_0:
called_computation.1_lowered:
.L_overlay_start_0:
0x88: {  	s2 =	sld [smem:$0x3FD9]  }
0x89: {  	s3 =	sld [smem:$0x3FFE];
	_ =	sdelay $0x1  }
0x8a: {  	s1 =	srdreg.scid  }
0x8b: {  	s0 =	sand.u32 $0x1, s1  }
0x8c: {  	s15 =	sshll.u32 s0, $0xA;
	s2 =	sadd.s32 s3, s2  }
0x8d: {  	s2 =	sadd.s32 s2, s15  }
0x8e: {  	[smem:$0x3FC1] =	sst s2  }
0x8f: {  	_ = 	snop  }
0x90: {  	s2 =	sld [smem:$0x3FD0];
	_ =	sdelay $0x2  }
0x91: {  	s4 =	simm.s32 $0xB;
	s5 =	simm.s32 $0x10;
	s16 =	sld [smem:$0x3FC9]  }
0x92: {  	[smem:s5], [sflag:s4] =	dma.local [hbm:s2], $0x1  }
0x93: {  	_ =	swait.eq [sflag:s4], $0x1  }
0x94: {  	[sflag:s4] =	ssyncset.done $0x0  }
0x95: {  	[sflag:s4] =	ssyncadd.s32 $0xFFFFFFFF  }
0x96: {  	s17 =	sld [smem:$0x10];
	(tm) =	ssettm $0x1  }
0x97: {  	s18 =	sld [smem:$0x3FFB];
	_ =	sdelay $0x3  }
0x98: {  	_ =	strace s18  }
0x99: {  	s2 =	sld [smem:$0x3FFC];
	_ =	sdelay $0x3  }
0x9a: {  	_ =	strace s2  }
0x9b: {  	s2 =	sld [smem:$0x3FFD];
	_ =	sdelay $0x3  }
0x9c: {  	_ =	strace s2  }
0x9d: {  	_ =	strace $0x8FFFFFFF  }
0x9e: {  	s19 =	sld [smem:$0x3FDB];
	_ =	sdelay $0x1  }
0x9f: {  	s20 =	simm.s32 $_scs_section_size  }
0xa0: {  	s6 =	simm.s32 $_size__tile_overlayer_lowered;
	s7 =	simm.s32 $_tile_overlayer_lowered  }
0xa1: {  	s8 =	simm.s32 $0x1BFF;
	s21 =	sshll.u32 s7, $0x1;
	s5 =	sadd.s32 s20, s19  }
0xa2: {  	s22 =	simm.s32 $0x0;
	s6 =	sshll.u32 s6, $0x1;
	s7 =	sadd.s32 s21, s5  }
0xa3: {  	[timem:s22], [sflag:s8] =	dma.local [hbm:s7], s6  }
0xa4: {  	_ =	swait.ge [sflag:s8], s6  }
0xa5: {  	s6 =	ssub.s32 $0x0, s6;
	[sflag:s8] =	ssyncset.done $0x0  }
0xa6: {  	[sflag:s8] =	ssyncadd.s32 s6;
	_ =	sdelay $0x1  }
0xa7: {  	s23 =	simm.s32 $0x1B8B  }
0xa8: {  	_ =	swait.ge [sflag:s23], $0x1  }
0xa9: {  	[sflag:s23] =	ssyncset.done $0x0  }
0xaa: {  	[sflag:s23] =	ssyncadd.s32 $0xFFFFFFFF  }
0xab: {  	s6 =	sld [smem:$0x0]  }
0xac: {  	s7 =	sand.u32 $0xFFFFFFFE, s1  }
0xad: {  	p0 =	sne.s32 s1, s7  }
0xae: {  	s7 =	sshll.u32 @p0 s7, $0xE  }
0xaf: {  	s7 =	sadd.s32 @p0 $0x11B8D, s7;
	s8 =	sshll.u32 @p0 s6, $0x11  }
0xb0: {  	s7 =	sor.u32 @p0 s8, s7  }
0xb1: {  	[sflag:s7] =	ssyncadd.remote.s32 @p0 $0x1;
	_ =	sdelay $0x1  }
0xb2: {  	s7 =	simm.s32 @p0 $0x1B8D  }
0xb3: {  	_ =	swait.eq @p0 [sflag:s7], $0x1  }
0xb4: {  	[sflag:s7] =	ssyncadd.s32 @p0 $0xFFFFFFFF  }
0xb5: {  	s8 =	sshll.u32 @!p0 s1, $0xE  }
0xb6: {  	s8 =	sor.u32 @!p0 $0x4000, s8;
	s7 =	simm.s32 @!p0 $0x1B8D  }
0xb7: {  	s6 =	sshll.u32 @!p0 s6, $0x11;
	s8 =	sadd.s32 @!p0 $0x11B8D, s8;
	_ =	swait.eq @!p0 [sflag:s7], $0x1  }
0xb8: {  	s6 =	sor.u32 @!p0 s6, s8;
	[sflag:s7] =	ssyncadd.s32 @!p0 $0xFFFFFFFF  }
0xb9: {  	s25 =	simm.s32 $0x1B8E;
	s24 =	sld [smem:$0x3FFE];
	[sflag:s6] =	ssyncadd.remote.s32 @!p0 $0x1  }
0xba: {  	s26 =	simm.s32 $execute0_lowered;
	[smem:$0x3FD2] =	sst s25  }
0xbb: {  	s7 =	sshll.u32 s26, $0x1;
	_ =	strace $0x80000049;
	[dreg:$0x1] =	wrdreg $0xFFFFFFFF  }
0xbc: {  	s28 =	simm.s32 $_size_execute0_lowered;
	s5 =	sadd.s32 s5, s7;
	[dreg:$0x0] =	wrdreg $0x0  }
0xbd: {  	s7 =	sshll.u32 s28, $0x1;
	[dreg:$0x2] =	wrdreg s5  }
0xbe: {  	[dreg:$0x3] =	wrdreg s7  }
0xbf: {  	[dreg:$0x4] =	wrdreg $0xC0  }
0xc0: {  	_ =	task [dreg:s22], $0x5FFFF  }
0xc1: {  	[dreg:$0x1] =	wrdreg $0xFFFFFFFF  }
0xc2: {  	[dreg:$0x0] =	wrdreg $0x60  }
0xc3: {  	[dreg:$0x2] =	wrdreg s16  }
0xc4: {  	[dreg:$0x3] =	wrdreg s24  }
0xc5: {  	[dreg:$0x4] =	wrdreg s17  }
0xc6: {  	[dreg:$0x5] =	wrdreg $0x90000  }
0xc7: {  	[dreg:$0x6] =	wrdreg $0xA  }
0xc8: {  	_ =	task.clear_ibuf [dreg:s22], $0x7FFFF;
	_ =	strace $0x90000049  }
0xc9: {  	s29 =	simm.s32 $0xA;
	_ =	strace $0x8000004B  }
0xca: {  	_ =	swait.ge [sflag:s29], $0x1  }
0xcb: {  	[sflag:s29] =	ssyncadd.s32 $0xFFFFFFFF  }
0xcc: {  	_ =	strace $0x9000004B  }
0xcd: {  	_ =	sfence  }
0xce: {  	s30 =	sld [smem:$0x0];
	_ =	sdelay $0x2  }
0xcf: {  	s31 =	sshll.u32 s1, $0xD;
	s1 =	sshrl.u32 s1, $0x2  }
0xd0: {  	s4 =	sand.u32 $0x4000, s31;
	s1 =	sadd.s32 s1, s30  }
0xd1: {  	s0 =	sor.u32 s4, s0;
	s1 =	sshll.u32 s1, $0x11  }
0xd2: {  	s0 =	sor.u32 s1, s0  }
0xd3: {  	s0 =	sadd.s32 $0x8F2B, s0  }
0xd4: {  	[sflag:s0] =	ssyncadd.remote.s32 $0x1  }
0xd5: {  	_ =	sfence.sel $0xFFFF  }
0xd6: {  	[dreg:$0x0] =	wrdreg $0xFFFFFFFF;
	(pc) =	sbr.abs _section_cstart, $3  }
0xd7: {  	[dreg:$0x1] =	wrdreg $0xFFFFFFFF  }
0xd8: {  	_ =	task.clear_ibuf [dreg:s22], $0x2FFFF;
	_ =	strace $0x9FFFFFFF  }
0xd9: {  	(tm) =	ssettm $0x7FFFFFFF  }
tec
execute0_lowered:
.L_overlay_start_1:
0x0: {  	(tag) =	ssettag $0x1  }
0x1: {  	s1 =	rddreg [dreg:$0x0]  }
0x2: {  	s5 =	rddreg [dreg:$0x1]  }
0x3: {  	s8 =	rddreg [dreg:$0x2];
	s2 =	srdreg.scid  }
0x4: {  	s0 =	stileid.u32;
	s3 =	rddreg [dreg:$0x3]  }
0x5: {  	s4 =	simm.s32 $0x0;
	s14 =	simm.s32 $0x80;
	s15 =	simm.s32 $0x5000  }
0x6: {  	s16 =	simm.s32 $0x1;
	s17 =	simm.s32 $0x0;
	s6 =	sand.u32 $0x1, s2  }
0x7: {  	s7 =	sshll.u32 s0, $0x1;
	s2 =	rddreg [dreg:$0x4];
	s10 =	smul.u32 $0x14000, s0  }
0x8: {  	[smem:$0x7FF] =	sst s4;
	s12 =	smul.u32 $0x50000, s0;
	s31 =	sshll.u32 s0, $0x6  }
0x9: {  	s7 =	sor.u32 s6, s7;
	s9 =	smul.u32 $0x140000, s6;
	s6 =	ssub.s32 $0x2, s6  }
0xa: {  	_ =	strace $0x8000004A;
	s7 =	smul.u32 $0x500, s7;
	s11 =	sshrl.u32 s6, $0x1  }
0xb: {  	s30 =	sshrl.u32 s12, $0x2;
	s12 =	sor.u32 $0x1C02, s31;
	s11 =	ssub.s32 s6, s11  }
0xc: {  	s9 =	sadd.s32 s10, s9;
	s13 =	sadd.s32 s30, s3;
	s10 =	simm.s32 $0x2  }
0xd: {  	s7 =	sadd.s32 s7, s5;
	s5 =	sadd.s32 $0xD600, s5;
	s9 =	sshrl.u32 s9, $0x3  }
0xe: {  	s13 =	sshrl.u32 s13, $0x3;
	s6 =	sadd.s32 $0x5FE00, s7;
	s7 =	sadd.s32 $0x3600, s7  }
0xf: {  	s8 =	sadd.s32 s8, s9;
	s9 =	smax.u32 s11, $0x1;
	s11 =	simm.s32 $0x2800  }
.LBB2_1:
0x10: {  	[tilespmem:s4], [sflag:$0x2] =	stream.linear.gather [hbm4b:s6+s4], $0x2780, $0x38;
	[tilespmem:$0x1D000] =	vst v63  }
0x11: {  	_ =	swait.ge [sflag:s10], $0x2780  }
0x12: {  	[sflag:s10] =	ssyncset.done $0x0  }
0x13: {  	[sflag:s10] =	ssyncadd.s32 $0xFFFFD880  }
0x14: {  	[tilespmem:s11], [sflag:$0x2] =	stream.linear.gather [hbm4b:s7+s4], $0x2780, $0x38;
	[tilespmem:$0x1D000] =	vst v63  }
0x15: {  	_ =	swait.ge [sflag:s10], $0x2780  }
0x16: {  	[sflag:s10] =	ssyncset.done $0x0  }
0x17: {  	[sflag:s10] =	ssyncadd.s32 $0xFFFFD880  }
0x18: {  	[spmem:s13], [sflag:s12] =	dma.local [hbm:s5], $0x2800  }
0x19: {  	_ =	swait.ge [sflag:s10], $0x2800  }
0x1a: {  	[sflag:s10] =	ssyncset.done $0x0  }
0x1b: {  	[sflag:s10] =	ssyncadd.s32 $0xFFFFD800  }
0x1c: {  	s18 =	simm.s32 $0x0;
	[bflag:$0x0] =	sbarrier.arrive $0xFFFF  }
0x1d: {  	[tilespmem:s15], [sflag:$0x1] =	stream.indirect.gather [hbm4b:s1+s14], $0x80, s18, s14, $0xb8;
	[tilespmem:$0x1D000] =	vst v63  }
0x1e: {  	_ =	swait.ge [sflag:s16], $0x4000  }
0x1f: {  	[sflag:s16] =	ssyncset.done $0x0  }
0x20: {  	s31 =	simm.s32 $0x2800;
	[sflag:s16] =	ssyncadd.s32 $0xFFFFC000  }
0x21: {  	[spmem:s3] =	stream.indirect.scatter.add.f32 [tilespmem:s15], [sflag:$0x2], $0x80, s31, s14, $0xb8;
	[tilespmem:$0x1D000] =	vst v63  }
0x22: {  	_ =	swait.ge [sflag:s10], $0x4000  }
0x23: {  	s19 =	simm.s32 $0x400;
	s18 =	simm.s32 $0x200;
	[sflag:s10] =	ssyncset.done $0x0  }
.LBB2_2:
0x24: {  	s20 =	sshra.s32 s18, $0x2  }
0x25: {  	[sflag:s10] =	ssyncadd.s32 $0xFFFFC000;
	s18 =	smov.u32 s19;
	s21 =	sadd.s32 $0x200, s19  }
0x26: {  	[tilespmem:s15], [sflag:$0x1] =	stream.indirect.gather [hbm4b:s1+s14], $0x80, s20, s14, $0xb8;
	[tilespmem:$0x1D000] =	vst v63  }
0x27: {  	p0 =	sne.s32 s19, $0x9C00;
	_ =	swait.ge [sflag:s16], $0x4000  }
.Ltmp0:
0x28: {  	[sflag:s16] =	ssyncset.done $0x0;
	(pc) =	sbr.rel @p0 .LBB2_2-.Ltmp0, $4  }
0x29: {  	s19 =	sadd.s32 $0x2800, s20;
	[sflag:s16] =	ssyncadd.s32 $0xFFFFC000  }
0x2a: {  	[spmem:s3] =	stream.indirect.scatter.add.f32 [tilespmem:s15], [sflag:$0x2], $0x80, s19, s14, $0xb8;
	[tilespmem:$0x1D000] =	vst v63  }
0x2b: {  	_ =	swait.ge [sflag:s10], $0x4000  }
0x2c: {  	s19 =	smov.u32 s21;
	[sflag:s10] =	ssyncset.done $0x0  }
0x2d: {  	s18 =	sshra.s32 s18, $0x2;
	[sflag:s10] =	ssyncadd.s32 $0xFFFFC000  }
0x2e: {  	[tilespmem:s15], [sflag:$0x1] =	stream.indirect.gather [hbm4b:s1+s14], $0x80, s18, s14, $0xb8;
	[tilespmem:$0x1D000] =	vst v63  }
0x2f: {  	_ =	swait.ge [sflag:s16], $0x4000  }
0x30: {  	[sflag:s16] =	ssyncset.done $0x0  }
0x31: {  	s18 =	sadd.s32 $0x2800, s18;
	[sflag:s16] =	ssyncadd.s32 $0xFFFFC000  }
0x32: {  	[spmem:s3] =	stream.indirect.scatter.add.f32 [tilespmem:s15], [sflag:$0x2], $0x80, s18, s14, $0xb8;
	[tilespmem:$0x1D000] =	vst v63  }
0x33: {  	_ =	swait.ge [sflag:s10], $0x4000  }
0x34: {  	s17 =	sadd.s32 $0x1, s17;
	[sflag:s10] =	ssyncset.done $0x0  }
0x35: {  	p0 =	sne.s32 s17, s9;
	[sflag:s10] =	ssyncadd.s32 $0xFFFFC000  }
.Ltmp1:
0x36: {  	[bflag:$0x0] =	sbarrier.arrive $0xFFFF;
	(pc) =	sbr.rel @p0 .LBB2_1-.Ltmp1, $4  }
0x37: {  	[hbm:s8], [sflag:s12] =	dma.local [spmem:s13], $0x2800  }
0x38: {  	_ =	swait.ge [sflag:s10], $0x2800  }
0x39: {  	[sflag:s10] =	ssyncset.done $0x0  }
0x3a: {  	[sflag:s10] =	ssyncadd.s32 $0xFFFFD800  }
0x3b: {  	_ =	sfence.sel $0x180000  }
0x3c: {  	[bflag:$0x0] =	sbarrier.arrive $0xFFFF  }
0x3d: {  	p0 =	sne.s32 s0, $0x0;
	_ =	strace $0x9000004A  }
0x3e: {  	s0 =	sadd.s32 @!p0 $0x100000, s2;
	[bflag:$0x2] =	sbarrier.arrive $0xFFFF  }
0x3f: {  	[sflag:s0] =	ssyncadd.tile.s32 @!p0 $0x1;
	_ =	shalt  }
.Lfunc_end2:
_tile_overlayer_lowered:
.L_overlay_start_2:
0x40: {  	(tag) =	ssettag $0x2  }
0x41: {  	s0 =	rddreg [dreg:$0x0];
	s2 =	stileid.u32  }
0x42: {  	s1 =	rddreg [dreg:$0x1];
	p0 =	sne.s32 s2, $0x0  }
0x43: {  	s3 =	rddreg [dreg:$0x2];
	[bflag:$0x3] =	sbarrier.arrive $0xFFFF;
	s2 =	simm.s32 @!p0 $0x1C02  }
0x44: {  	[timem:s3], [sflag:s2] =	dma.local @!p0 [hbm:s0], s1  }
0x45: {  	s0 =	simm.s32 @!p0 $0x2  }
0x46: {  	_ =	swait.ge @!p0 [sflag:s0], s1  }
0x47: {  	s1 =	ssub.s32 @!p0 $0x0, s1;
	[sflag:s0] =	ssyncset.done @!p0 $0x0  }
0x48: {  	[sflag:s0] =	ssyncadd.s32 @!p0 s1  }
0x49: {  	[bflag:$0x3] =	sbarrier.arrive $0xFFFF  }
0x4a: {  	_ =	shalt  }

// kernel: kernel.15.cloned.1.call-start
scs
__scs_entry_jumppad:
0x0: {  	(pc) =	sbr.rel $0x88, $3  }
0x1: {  	(tag) =	ssettag $0x0;
	lr =	simm.s32 $0x1  }
0x2: {  	[smem:$0x3F9A] =	sst lr;
	_ =	strace $0xD0000000  }
0x3: {  	_ = 	snop  }
0x4: {  	_ = 	snop  }
0x5: {  	_ = 	snop  }
0x6: {  	_ = 	snop  }
0x7: {  	_ = 	snop  }
__scs_overlays_trampoline_lowered:
0x8: {  	[smem:$0x3FA9] =	sst s0  }
0x9: {  	[smem:$0x3FAA] =	sst s1  }
0xa: {  	[smem:$0x3FAB] =	sst s2  }
0xb: {  	[smem:$0x3FAC] =	sst s3  }
0xc: {  	[smem:$0x3FAD] =	sst s4  }
0xd: {  	[smem:$0x3FAE] =	sst s5  }
0xe: {  	[smem:$0x3FAF] =	sst s6  }
0xf: {  	[smem:$0x3FB0] =	sst s7  }
0x10: {  	[smem:$0x3FB1] =	sst s8  }
0x11: {  	[smem:$0x3FB2] =	sst s9;
	s0 =	simm.s32 @!p0 $0x0  }
0x12: {  	s1 =	sld [smem:$0x3F98];
	s0 =	simm.s32 @p0 $0x1  }
0x13: {  	[smem:$0x3FB3] =	sst s0;
	s0 =	simm.s32 @!p1 $0x0  }
0x14: {  	s2 =	sld [smem:$0x3F97];
	s0 =	simm.s32 @p1 $0x1  }
0x15: {  	[smem:$0x3FB4] =	sst s0;
	s0 =	simm.s32 @!p2 $0x0  }
0x16: {  	s3 =	sld [smem:$0x3FDB];
	s0 =	simm.s32 @p2 $0x1  }
0x17: {  	s4 =	simm.s32 $0x1BF5;
	[smem:$0x3FB6] =	sst s0  }
0x18: {  	s0 =	sld [smem:$0x3F99];
	_ =	swait.ge [sflag:s4], $0x0  }
0x19: {  	s7 =	sld [smem:$0x3F9A]  }
0x1a: {  	s8 =	sadd.s32 $0xFFFFE003, lr  }
0x1b: {  	s9 =	sadd.s32 $0xFFFFFEF7, lr;
	s5 =	simm.s32 $0xFFFFFFFF;
	p2 =	slt.u32 s8, $0xFFFFF086  }
0x1c: {  	p1 =	slt.u32 s9, $0xF7A;
	s5 =	simm.s32 @!p2 $0x0  }
0x1d: {  	s5 =	simm.s32 @p1 $0x1;
	p0 =	seq.s32 s7, s2  }
0x1e: {  	s7 =	smul.u32 @!p0 $0xF7A, s2;
	p2 =	seq.s32 @!p0 s5, $0x0  }
0x1f: {  	s9 =	smul.u32 $0xF7A, s1;
	s8 =	simm.s32 @!p0 $0x1BF5;
	p2 =	por !p2, p0  }
0x20: {  	[sflag:s8] =	ssyncset.s32 @!p0 $0xFFFFF086;
	s6 =	sadd.s32 @!p0 s3, s7;
	s7 =	simm.s32 @!p0 $0x108  }
0x21: {  	s3 =	sadd.s32 s3, s9;
	s6 =	sadd.s32 @!p0 $0x88, s6;
	s7 =	simm.s32 @p2 $0x1082  }
0x22: {  	[simem:s7], [sflag:s8] =	dma.local @!p0 [hbm:s6], $0xF7A  }
0x23: {  	s9 =	sor.u32 $0xD0000000, s2;
	s6 =	simm.s32 $0x108;
	_ =	swait.ge @!p0 [sflag:s8], $0x0  }
0x24: {  	s3 =	sadd.s32 $0x88, s3;
	s6 =	simm.s32 @!p1 $0x1082;
	[sflag:s4] =	ssyncset.s32 $0xFFFFF086  }
0x25: {  	[simem:s6], [sflag:s4] =	dma.local [hbm:s3], $0xF7A  }
0x26: {  	[smem:$0x3F9A] =	sst s1;
	(tag) =	ssettag s2;
	_ =	strace s9  }
0x27: {  	s1 =	sld [smem:$0x3FAA]  }
0x28: {  	s2 =	sld [smem:$0x3FAB]  }
0x29: {  	s4 =	sld [smem:$0x3FAD]  }
0x2a: {  	p0 =	seq.s32 s5, $0x0;
	s5 =	sld [smem:$0x3FAE]  }
0x2b: {  	s6 =	sld [smem:$0x3FAF]  }
0x2c: {  	s7 =	sld [smem:$0x3FB0]  }
0x2d: {  	s3 =	simm.s32 $0x108;
	s8 =	sld [smem:$0x3FB1]  }
0x2e: {  	s3 =	simm.s32 @!p0 $0x1082;
	s9 =	sld [smem:$0x3FB2]  }
0x2f: {  	lr =	sadd.s32 s0, s3;
	s0 =	sld [smem:$0x3FA9]  }
0x30: {  	s3 =	sld [smem:$0x3FAC]  }
0x31: {  	[smem:$0x3FB5] =	sst s10  }
0x32: {  	s10 =	sld [smem:$0x3FB3];
	_ =	sdelay $0x3  }
0x33: {  	p0 =	seq.s32 s10, $0x1;
	s10 =	sld [smem:$0x3FB5];
	_ =	sdelay $0x3  }
0x34: {  	[smem:$0x3FB5] =	sst s10  }
0x35: {  	s10 =	sld [smem:$0x3FB4];
	_ =	sdelay $0x3  }
0x36: {  	p1 =	seq.s32 s10, $0x1;
	s10 =	sld [smem:$0x3FB5];
	_ =	sdelay $0x3  }
0x37: {  	[smem:$0x3FB5] =	sst s10  }
0x38: {  	s10 =	sld [smem:$0x3FB6]  }
0x39: {  	_ = 	snop;
	(pc) =	sbr.ind lr, $3  }
0x3a: {  	_ = 	snop  }
0x3b: {  	_ = 	snop  }
0x3c: {  	p2 =	seq.s32 s10, $0x1;
	s10 =	sld [smem:$0x3FB5]  }
0x3d: {  	_ =	shalt  }
0x3e: {  	_ =	shalt  }
0x3f: {  	_ =	shalt  }
0x40: {  	_ =	shalt  }
0x41: {  	_ =	shalt  }
0x42: {  	_ =	shalt  }
0x43: {  	_ =	shalt  }
0x44: {  	_ =	shalt  }
0x45: {  	_ =	shalt  }
0x46: {  	_ =	shalt  }
0x47: {  	_ =	shalt  }
0x48: {  	_ =	shalt  }
0x49: {  	_ =	shalt  }
0x4a: {  	_ =	shalt  }
0x4b: {  	_ =	shalt  }
0x4c: {  	_ =	shalt  }
0x4d: {  	_ =	shalt  }
0x4e: {  	_ =	shalt  }
0x4f: {  	_ =	shalt  }
0x50: {  	_ =	shalt  }
0x51: {  	_ =	shalt  }
0x52: {  	_ =	shalt  }
0x53: {  	_ =	shalt  }
0x54: {  	_ =	shalt  }
0x55: {  	_ =	shalt  }
0x56: {  	_ =	shalt  }
0x57: {  	_ =	shalt  }
0x58: {  	_ =	shalt  }
0x59: {  	_ =	shalt  }
0x5a: {  	_ =	shalt  }
0x5b: {  	_ =	shalt  }
0x5c: {  	_ =	shalt  }
0x5d: {  	_ =	shalt  }
0x5e: {  	_ =	shalt  }
0x5f: {  	_ =	shalt  }
0x60: {  	_ =	shalt  }
0x61: {  	_ =	shalt  }
0x62: {  	_ =	shalt  }
0x63: {  	_ =	shalt  }
0x64: {  	_ =	shalt  }
0x65: {  	_ =	shalt  }
0x66: {  	_ =	shalt  }
0x67: {  	_ =	shalt  }
0x68: {  	_ =	shalt  }
0x69: {  	_ =	shalt  }
0x6a: {  	_ =	shalt  }
0x6b: {  	_ =	shalt  }
0x6c: {  	_ =	shalt  }
0x6d: {  	_ =	shalt  }
0x6e: {  	_ =	shalt  }
0x6f: {  	_ =	shalt  }
0x70: {  	_ =	shalt  }
0x71: {  	_ =	shalt  }
0x72: {  	_ =	shalt  }
0x73: {  	_ =	shalt  }
0x74: {  	_ =	shalt  }
0x75: {  	_ =	shalt  }
0x76: {  	_ =	shalt  }
0x77: {  	_ =	shalt  }
0x78: {  	_ =	shalt  }
0x79: {  	_ =	shalt  }
0x7a: {  	_ =	shalt  }
0x7b: {  	_ =	shalt  }
0x7c: {  	_ =	shalt  }
0x7d: {  	_ =	shalt  }
0x7e: {  	_ =	shalt  }
0x7f: {  	_ =	shalt  }
0x80: {  	_ =	shalt  }
0x81: {  	_ =	shalt  }
0x82: {  	_ =	shalt  }
0x83: {  	_ =	shalt  }
0x84: {  	_ =	shalt  }
0x85: {  	_ =	shalt  }
0x86: {  	_ =	shalt  }
0x87: {  	_ =	shalt  }
.Lfunc_end0:
.L_simem_size_0:
called_computation.2_lowered:
.L_overlay_start_0:
0x88: {  	s2 =	sld [smem:$0x3FD9]  }
0x89: {  	s3 =	sld [smem:$0x3FFE];
	_ =	sdelay $0x1  }
0x8a: {  	s1 =	srdreg.scid  }
0x8b: {  	s0 =	sand.u32 $0x1, s1  }
0x8c: {  	s14 =	sshll.u32 s0, $0xA;
	s2 =	sadd.s32 s3, s2  }
0x8d: {  	s2 =	sadd.s32 s2, s14  }
0x8e: {  	[smem:$0x3FC1] =	sst s2  }
0x8f: {  	_ = 	snop  }
0x90: {  	s2 =	sld [smem:$0x3FD0];
	_ =	sdelay $0x2  }
0x91: {  	s15 =	simm.s32 $0xB;
	s4 =	simm.s32 $0x10  }
0x92: {  	[smem:s4], [sflag:s15] =	dma.local [hbm:s2], $0x1  }
0x93: {  	_ =	swait.eq [sflag:s15], $0x1  }
0x94: {  	[sflag:s15] =	ssyncset.done $0x0  }
0x95: {  	s16 =	sld [smem:$0x10];
	[sflag:s15] =	ssyncadd.s32 $0xFFFFFFFF  }
0x96: {  	s17 =	sld [smem:$0x11];
	(tm) =	ssettm $0x1  }
0x97: {  	s18 =	sld [smem:$0x3FFB];
	_ =	sdelay $0x3  }
0x98: {  	_ =	strace s18  }
0x99: {  	s4 =	sld [smem:$0x3FFC];
	_ =	sdelay $0x3  }
0x9a: {  	_ =	strace s4  }
0x9b: {  	s4 =	sld [smem:$0x3FFD];
	_ =	sdelay $0x3  }
0x9c: {  	_ =	strace s4  }
0x9d: {  	_ =	strace $0x8FFFFFFF  }
0x9e: {  	s19 =	sld [smem:$0x3FDB];
	_ =	sdelay $0x1  }
0x9f: {  	s5 =	simm.s32 $_scs_section_size  }
0xa0: {  	s6 =	simm.s32 $_size__tile_overlayer_lowered;
	s7 =	simm.s32 $_tile_overlayer_lowered  }
0xa1: {  	s22 =	simm.s32 $0x1BFF;
	s21 =	sshll.u32 s7, $0x1;
	s4 =	sadd.s32 s5, s19  }
0xa2: {  	s8 =	simm.s32 $0x0;
	s20 =	sshll.u32 s6, $0x1;
	s6 =	sadd.s32 s21, s4  }
0xa3: {  	[timem:s8], [sflag:s22] =	dma.local [hbm:s6], s20  }
0xa4: {  	_ =	swait.ge [sflag:s22], s20  }
0xa5: {  	s5 =	ssub.s32 $0x0, s20;
	[sflag:s22] =	ssyncset.done $0x0  }
0xa6: {  	[sflag:s22] =	ssyncadd.s32 s5;
	_ =	sdelay $0x1  }
0xa7: {  	s23 =	simm.s32 $0x1B8B  }
0xa8: {  	_ =	swait.ge [sflag:s23], $0x1  }
0xa9: {  	[sflag:s23] =	ssyncset.done $0x0  }
0xaa: {  	s25 =	simm.s32 $0x1B8E;
	s24 =	sld [smem:$0x3FFE];
	[sflag:s23] =	ssyncadd.s32 $0xFFFFFFFF  }
0xab: {  	s26 =	simm.s32 $execute0_lowered;
	[smem:$0x3FD2] =	sst s25  }
0xac: {  	s6 =	sshll.u32 s26, $0x1;
	_ =	strace $0x8000004C;
	[dreg:$0x1] =	wrdreg $0xFFFFFFFF  }
0xad: {  	s28 =	simm.s32 $_size_execute0_lowered;
	s4 =	sadd.s32 s4, s6;
	[dreg:$0x0] =	wrdreg $0x0  }
0xae: {  	s6 =	sshll.u32 s28, $0x1;
	[dreg:$0x2] =	wrdreg s4  }
0xaf: {  	[dreg:$0x3] =	wrdreg s6  }
0xb0: {  	[dreg:$0x4] =	wrdreg $0xC0  }
0xb1: {  	_ =	task [dreg:s8], $0x5FFFF  }
0xb2: {  	[dreg:$0x1] =	wrdreg $0xFFFFFFFF  }
0xb3: {  	[dreg:$0x0] =	wrdreg $0x60  }
0xb4: {  	[dreg:$0x2] =	wrdreg s17  }
0xb5: {  	[dreg:$0x3] =	wrdreg s24  }
0xb6: {  	[dreg:$0x4] =	wrdreg s16  }
0xb7: {  	[dreg:$0x5] =	wrdreg $0x90000  }
0xb8: {  	[dreg:$0x6] =	wrdreg $0x9  }
0xb9: {  	_ =	task.clear_ibuf [dreg:s8], $0x7FFFF;
	_ =	strace $0x9000004C  }
0xba: {  	s29 =	simm.s32 $0x9;
	_ =	strace $0x8000004E  }
0xbb: {  	_ =	swait.ge [sflag:s29], $0x1  }
0xbc: {  	[sflag:s29] =	ssyncadd.s32 $0xFFFFFFFF  }
0xbd: {  	_ =	strace $0x9000004E  }
0xbe: {  	_ =	sfence  }
0xbf: {  	s30 =	sld [smem:$0x0];
	_ =	sdelay $0x2  }
0xc0: {  	s31 =	sshll.u32 s1, $0xD;
	s1 =	sshrl.u32 s1, $0x2  }
0xc1: {  	s3 =	sand.u32 $0x4000, s31;
	s1 =	sadd.s32 s1, s30  }
0xc2: {  	s0 =	sor.u32 s3, s0;
	s1 =	sshll.u32 s1, $0x11  }
0xc3: {  	s0 =	sor.u32 s1, s0  }
0xc4: {  	s0 =	sadd.s32 $0x8F2B, s0  }
0xc5: {  	[sflag:s0] =	ssyncadd.remote.s32 $0x1  }
0xc6: {  	_ =	sfence.sel $0xFFFF  }
0xc7: {  	[dreg:$0x0] =	wrdreg $0xFFFFFFFF;
	(pc) =	sbr.abs _section_cstart, $3  }
0xc8: {  	[dreg:$0x1] =	wrdreg $0xFFFFFFFF  }
0xc9: {  	_ =	task.clear_ibuf [dreg:s8], $0x2FFFF;
	_ =	strace $0x9FFFFFFF  }
0xca: {  	(tm) =	ssettm $0x7FFFFFFF  }
0xcb: {  	_ =	shalt  }
tec
execute0_lowered:
.L_overlay_start_1:
0x0: {  	(tag) =	ssettag $0x1  }
0x1: {  	s1 =	rddreg [dreg:$0x0]  }
0x2: {  	s5 =	rddreg [dreg:$0x1]  }
0x3: {  	s8 =	rddreg [dreg:$0x2];
	s2 =	srdreg.scid  }
0x4: {  	s0 =	stileid.u32;
	s3 =	rddreg [dreg:$0x3]  }
0x5: {  	s4 =	simm.s32 $0x0;
	s14 =	simm.s32 $0x80;
	s15 =	simm.s32 $0x5000  }
0x6: {  	s16 =	simm.s32 $0x1;
	s17 =	simm.s32 $0x0;
	s6 =	sand.u32 $0x1, s2  }
0x7: {  	s7 =	sshll.u32 s0, $0x1;
	s2 =	rddreg [dreg:$0x4];
	s10 =	smul.u32 $0x14000, s0  }
0x8: {  	[smem:$0x7FF] =	sst s4;
	s12 =	smul.u32 $0x50000, s0;
	s31 =	sshll.u32 s0, $0x6  }
0x9: {  	s7 =	sor.u32 s6, s7;
	s9 =	smul.u32 $0x140000, s6;
	s6 =	ssub.s32 $0x2, s6  }
0xa: {  	_ =	strace $0x8000004D;
	s7 =	smul.u32 $0x500, s7;
	s11 =	sshrl.u32 s6, $0x1  }
0xb: {  	s30 =	sshrl.u32 s12, $0x2;
	s12 =	sor.u32 $0x1C02, s31;
	s11 =	ssub.s32 s6, s11  }
0xc: {  	s9 =	sadd.s32 s10, s9;
	s13 =	sadd.s32 s30, s3;
	s10 =	simm.s32 $0x2  }
0xd: {  	s7 =	sadd.s32 s7, s5;
	s5 =	sadd.s32 $0xD600, s5;
	s9 =	sshrl.u32 s9, $0x3  }
0xe: {  	s13 =	sshrl.u32 s13, $0x3;
	s6 =	sadd.s32 $0x5FE00, s7;
	s7 =	sadd.s32 $0x3600, s7  }
0xf: {  	s8 =	sadd.s32 s8, s9;
	s9 =	smax.u32 s11, $0x1;
	s11 =	simm.s32 $0x2800  }
.LBB2_1:
0x10: {  	[tilespmem:s4], [sflag:$0x2] =	stream.linear.gather [hbm4b:s6+s4], $0x2780, $0x38;
	[tilespmem:$0x1D000] =	vst v63  }
0x11: {  	_ =	swait.ge [sflag:s10], $0x2780  }
0x12: {  	[sflag:s10] =	ssyncset.done $0x0  }
0x13: {  	[sflag:s10] =	ssyncadd.s32 $0xFFFFD880  }
0x14: {  	[tilespmem:s11], [sflag:$0x2] =	stream.linear.gather [hbm4b:s7+s4], $0x2780, $0x38;
	[tilespmem:$0x1D000] =	vst v63  }
0x15: {  	_ =	swait.ge [sflag:s10], $0x2780  }
0x16: {  	[sflag:s10] =	ssyncset.done $0x0  }
0x17: {  	[sflag:s10] =	ssyncadd.s32 $0xFFFFD880  }
0x18: {  	[spmem:s13], [sflag:s12] =	dma.local [hbm:s5], $0x2800  }
0x19: {  	_ =	swait.ge [sflag:s10], $0x2800  }
0x1a: {  	[sflag:s10] =	ssyncset.done $0x0  }
0x1b: {  	[sflag:s10] =	ssyncadd.s32 $0xFFFFD800  }
0x1c: {  	s18 =	simm.s32 $0x0;
	[bflag:$0x0] =	sbarrier.arrive $0xFFFF  }
0x1d: {  	[tilespmem:s15], [sflag:$0x1] =	stream.indirect.gather [hbm4b:s1+s14], $0x80, s18, s14, $0xb8;
	[tilespmem:$0x1D000] =	vst v63  }
0x1e: {  	_ =	swait.ge [sflag:s16], $0x4000  }
0x1f: {  	[sflag:s16] =	ssyncset.done $0x0  }
0x20: {  	s31 =	simm.s32 $0x2800;
	[sflag:s16] =	ssyncadd.s32 $0xFFFFC000  }
0x21: {  	[spmem:s3] =	stream.indirect.scatter.add.f32 [tilespmem:s15], [sflag:$0x2], $0x80, s31, s14, $0xb8;
	[tilespmem:$0x1D000] =	vst v63  }
0x22: {  	_ =	swait.ge [sflag:s10], $0x4000  }
0x23: {  	s19 =	simm.s32 $0x400;
	s18 =	simm.s32 $0x200;
	[sflag:s10] =	ssyncset.done $0x0  }
.LBB2_2:
0x24: {  	s20 =	sshra.s32 s18, $0x2  }
0x25: {  	[sflag:s10] =	ssyncadd.s32 $0xFFFFC000;
	s18 =	smov.u32 s19;
	s21 =	sadd.s32 $0x200, s19  }
0x26: {  	[tilespmem:s15], [sflag:$0x1] =	stream.indirect.gather [hbm4b:s1+s14], $0x80, s20, s14, $0xb8;
	[tilespmem:$0x1D000] =	vst v63  }
0x27: {  	p0 =	sne.s32 s19, $0x9C00;
	_ =	swait.ge [sflag:s16], $0x4000  }
.Ltmp0:
0x28: {  	[sflag:s16] =	ssyncset.done $0x0;
	(pc) =	sbr.rel @p0 .LBB2_2-.Ltmp0, $4  }
0x29: {  	s19 =	sadd.s32 $0x2800, s20;
	[sflag:s16] =	ssyncadd.s32 $0xFFFFC000  }
0x2a: {  	[spmem:s3] =	stream.indirect.scatter.add.f32 [tilespmem:s15], [sflag:$0x2], $0x80, s19, s14, $0xb8;
	[tilespmem:$0x1D000] =	vst v63  }
0x2b: {  	_ =	swait.ge [sflag:s10], $0x4000  }
0x2c: {  	s19 =	smov.u32 s21;
	[sflag:s10] =	ssyncset.done $0x0  }
0x2d: {  	s18 =	sshra.s32 s18, $0x2;
	[sflag:s10] =	ssyncadd.s32 $0xFFFFC000  }
0x2e: {  	[tilespmem:s15], [sflag:$0x1] =	stream.indirect.gather [hbm4b:s1+s14], $0x80, s18, s14, $0xb8;
	[tilespmem:$0x1D000] =	vst v63  }
0x2f: {  	_ =	swait.ge [sflag:s16], $0x4000  }
0x30: {  	[sflag:s16] =	ssyncset.done $0x0  }
0x31: {  	s18 =	sadd.s32 $0x2800, s18;
	[sflag:s16] =	ssyncadd.s32 $0xFFFFC000  }
0x32: {  	[spmem:s3] =	stream.indirect.scatter.add.f32 [tilespmem:s15], [sflag:$0x2], $0x80, s18, s14, $0xb8;
	[tilespmem:$0x1D000] =	vst v63  }
0x33: {  	_ =	swait.ge [sflag:s10], $0x4000  }
0x34: {  	s17 =	sadd.s32 $0x1, s17;
	[sflag:s10] =	ssyncset.done $0x0  }
0x35: {  	p0 =	sne.s32 s17, s9;
	[sflag:s10] =	ssyncadd.s32 $0xFFFFC000  }
.Ltmp1:
0x36: {  	[bflag:$0x0] =	sbarrier.arrive $0xFFFF;
	(pc) =	sbr.rel @p0 .LBB2_1-.Ltmp1, $4  }
0x37: {  	[hbm:s8], [sflag:s12] =	dma.local [spmem:s13], $0x2800  }
0x38: {  	_ =	swait.ge [sflag:s10], $0x2800  }
0x39: {  	[sflag:s10] =	ssyncset.done $0x0  }
0x3a: {  	[sflag:s10] =	ssyncadd.s32 $0xFFFFD800  }
0x3b: {  	_ =	sfence.sel $0x180000  }
0x3c: {  	[bflag:$0x0] =	sbarrier.arrive $0xFFFF  }
0x3d: {  	p0 =	sne.s32 s0, $0x0;
	_ =	strace $0x9000004D  }
0x3e: {  	s0 =	sadd.s32 @!p0 $0x100000, s2;
	[bflag:$0x2] =	sbarrier.arrive $0xFFFF  }
0x3f: {  	[sflag:s0] =	ssyncadd.tile.s32 @!p0 $0x1;
	_ =	shalt  }
.Lfunc_end2:
_tile_overlayer_lowered:
.L_overlay_start_2:
0x40: {  	(tag) =	ssettag $0x2  }
0x41: {  	s0 =	rddreg [dreg:$0x0];
	s2 =	stileid.u32  }
0x42: {  	s1 =	rddreg [dreg:$0x1];
	p0 =	sne.s32 s2, $0x0  }
0x43: {  	s3 =	rddreg [dreg:$0x2];
	[bflag:$0x3] =	sbarrier.arrive $0xFFFF;
	s2 =	simm.s32 @!p0 $0x1C02  }
0x44: {  	[timem:s3], [sflag:s2] =	dma.local @!p0 [hbm:s0], s1  }
0x45: {  	s0 =	simm.s32 @!p0 $0x2  }
0x46: {  	_ =	swait.ge @!p0 [sflag:s0], s1  }
0x47: {  	s1 =	ssub.s32 @!p0 $0x0, s1;
	[sflag:s0] =	ssyncset.done @!p0 $0x0  }
0x48: {  	[sflag:s0] =	ssyncadd.s32 @!p0 s1  }
0x49: {  	[bflag:$0x3] =	sbarrier.arrive $0xFFFF  }
0x4a: {  	_ =	shalt  }

// kernel: kernel.18.cloned.1.call-start
scs
__scs_entry_jumppad:
0x0: {  	(pc) =	sbr.rel $0x88, $3  }
0x1: {  	(tag) =	ssettag $0x0;
	lr =	simm.s32 $0x1  }
0x2: {  	[smem:$0x3F9A] =	sst lr;
	_ =	strace $0xD0000000  }
0x3: {  	_ = 	snop  }
0x4: {  	_ = 	snop  }
0x5: {  	_ = 	snop  }
0x6: {  	_ = 	snop  }
0x7: {  	_ = 	snop  }
__scs_overlays_trampoline_lowered:
0x8: {  	[smem:$0x3FA9] =	sst s0  }
0x9: {  	[smem:$0x3FAA] =	sst s1  }
0xa: {  	[smem:$0x3FAB] =	sst s2  }
0xb: {  	[smem:$0x3FAC] =	sst s3  }
0xc: {  	[smem:$0x3FAD] =	sst s4  }
0xd: {  	[smem:$0x3FAE] =	sst s5  }
0xe: {  	[smem:$0x3FAF] =	sst s6  }
0xf: {  	[smem:$0x3FB0] =	sst s7  }
0x10: {  	[smem:$0x3FB1] =	sst s8  }
0x11: {  	[smem:$0x3FB2] =	sst s9;
	s0 =	simm.s32 @!p0 $0x0  }
0x12: {  	s1 =	sld [smem:$0x3F98];
	s0 =	simm.s32 @p0 $0x1  }
0x13: {  	[smem:$0x3FB3] =	sst s0;
	s0 =	simm.s32 @!p1 $0x0  }
0x14: {  	s2 =	sld [smem:$0x3F97];
	s0 =	simm.s32 @p1 $0x1  }
0x15: {  	[smem:$0x3FB4] =	sst s0;
	s0 =	simm.s32 @!p2 $0x0  }
0x16: {  	s3 =	sld [smem:$0x3FDB];
	s0 =	simm.s32 @p2 $0x1  }
0x17: {  	s4 =	simm.s32 $0x1BF5;
	[smem:$0x3FB6] =	sst s0  }
0x18: {  	s0 =	sld [smem:$0x3F99];
	_ =	swait.ge [sflag:s4], $0x0  }
0x19: {  	s7 =	sld [smem:$0x3F9A]  }
0x1a: {  	s8 =	sadd.s32 $0xFFFFE003, lr  }
0x1b: {  	s9 =	sadd.s32 $0xFFFFFEF7, lr;
	s5 =	simm.s32 $0xFFFFFFFF;
	p2 =	slt.u32 s8, $0xFFFFF086  }
0x1c: {  	p1 =	slt.u32 s9, $0xF7A;
	s5 =	simm.s32 @!p2 $0x0  }
0x1d: {  	s5 =	simm.s32 @p1 $0x1;
	p0 =	seq.s32 s7, s2  }
0x1e: {  	s7 =	smul.u32 @!p0 $0xF7A, s2;
	p2 =	seq.s32 @!p0 s5, $0x0  }
0x1f: {  	s9 =	smul.u32 $0xF7A, s1;
	s8 =	simm.s32 @!p0 $0x1BF5;
	p2 =	por !p2, p0  }
0x20: {  	[sflag:s8] =	ssyncset.s32 @!p0 $0xFFFFF086;
	s6 =	sadd.s32 @!p0 s3, s7;
	s7 =	simm.s32 @!p0 $0x108  }
0x21: {  	s3 =	sadd.s32 s3, s9;
	s6 =	sadd.s32 @!p0 $0x88, s6;
	s7 =	simm.s32 @p2 $0x1082  }
0x22: {  	[simem:s7], [sflag:s8] =	dma.local @!p0 [hbm:s6], $0xF7A  }
0x23: {  	s9 =	sor.u32 $0xD0000000, s2;
	s6 =	simm.s32 $0x108;
	_ =	swait.ge @!p0 [sflag:s8], $0x0  }
0x24: {  	s3 =	sadd.s32 $0x88, s3;
	s6 =	simm.s32 @!p1 $0x1082;
	[sflag:s4] =	ssyncset.s32 $0xFFFFF086  }
0x25: {  	[simem:s6], [sflag:s4] =	dma.local [hbm:s3], $0xF7A  }
0x26: {  	[smem:$0x3F9A] =	sst s1;
	(tag) =	ssettag s2;
	_ =	strace s9  }
0x27: {  	s1 =	sld [smem:$0x3FAA]  }
0x28: {  	s2 =	sld [smem:$0x3FAB]  }
0x29: {  	s4 =	sld [smem:$0x3FAD]  }
0x2a: {  	p0 =	seq.s32 s5, $0x0;
	s5 =	sld [smem:$0x3FAE]  }
0x2b: {  	s6 =	sld [smem:$0x3FAF]  }
0x2c: {  	s7 =	sld [smem:$0x3FB0]  }
0x2d: {  	s3 =	simm.s32 $0x108;
	s8 =	sld [smem:$0x3FB1]  }
0x2e: {  	s3 =	simm.s32 @!p0 $0x1082;
	s9 =	sld [smem:$0x3FB2]  }
0x2f: {  	lr =	sadd.s32 s0, s3;
	s0 =	sld [smem:$0x3FA9]  }
0x30: {  	s3 =	sld [smem:$0x3FAC]  }
0x31: {  	[smem:$0x3FB5] =	sst s10  }
0x32: {  	s10 =	sld [smem:$0x3FB3];
	_ =	sdelay $0x3  }
0x33: {  	p0 =	seq.s32 s10, $0x1;
	s10 =	sld [smem:$0x3FB5];
	_ =	sdelay $0x3  }
0x34: {  	[smem:$0x3FB5] =	sst s10  }
0x35: {  	s10 =	sld [smem:$0x3FB4];
	_ =	sdelay $0x3  }
0x36: {  	p1 =	seq.s32 s10, $0x1;
	s10 =	sld [smem:$0x3FB5];
	_ =	sdelay $0x3  }
0x37: {  	[smem:$0x3FB5] =	sst s10  }
0x38: {  	s10 =	sld [smem:$0x3FB6]  }
0x39: {  	_ = 	snop;
	(pc) =	sbr.ind lr, $3  }
0x3a: {  	_ = 	snop  }
0x3b: {  	_ = 	snop  }
0x3c: {  	p2 =	seq.s32 s10, $0x1;
	s10 =	sld [smem:$0x3FB5]  }
0x3d: {  	_ =	shalt  }
0x3e: {  	_ =	shalt  }
0x3f: {  	_ =	shalt  }
0x40: {  	_ =	shalt  }
0x41: {  	_ =	shalt  }
0x42: {  	_ =	shalt  }
0x43: {  	_ =	shalt  }
0x44: {  	_ =	shalt  }
0x45: {  	_ =	shalt  }
0x46: {  	_ =	shalt  }
0x47: {  	_ =	shalt  }
0x48: {  	_ =	shalt  }
0x49: {  	_ =	shalt  }
0x4a: {  	_ =	shalt  }
0x4b: {  	_ =	shalt  }
0x4c: {  	_ =	shalt  }
0x4d: {  	_ =	shalt  }
0x4e: {  	_ =	shalt  }
0x4f: {  	_ =	shalt  }
0x50: {  	_ =	shalt  }
0x51: {  	_ =	shalt  }
0x52: {  	_ =	shalt  }
0x53: {  	_ =	shalt  }
0x54: {  	_ =	shalt  }
0x55: {  	_ =	shalt  }
0x56: {  	_ =	shalt  }
0x57: {  	_ =	shalt  }
0x58: {  	_ =	shalt  }
0x59: {  	_ =	shalt  }
0x5a: {  	_ =	shalt  }
0x5b: {  	_ =	shalt  }
0x5c: {  	_ =	shalt  }
0x5d: {  	_ =	shalt  }
0x5e: {  	_ =	shalt  }
0x5f: {  	_ =	shalt  }
0x60: {  	_ =	shalt  }
0x61: {  	_ =	shalt  }
0x62: {  	_ =	shalt  }
0x63: {  	_ =	shalt  }
0x64: {  	_ =	shalt  }
0x65: {  	_ =	shalt  }
0x66: {  	_ =	shalt  }
0x67: {  	_ =	shalt  }
0x68: {  	_ =	shalt  }
0x69: {  	_ =	shalt  }
0x6a: {  	_ =	shalt  }
0x6b: {  	_ =	shalt  }
0x6c: {  	_ =	shalt  }
0x6d: {  	_ =	shalt  }
0x6e: {  	_ =	shalt  }
0x6f: {  	_ =	shalt  }
0x70: {  	_ =	shalt  }
0x71: {  	_ =	shalt  }
0x72: {  	_ =	shalt  }
0x73: {  	_ =	shalt  }
0x74: {  	_ =	shalt  }
0x75: {  	_ =	shalt  }
0x76: {  	_ =	shalt  }
0x77: {  	_ =	shalt  }
0x78: {  	_ =	shalt  }
0x79: {  	_ =	shalt  }
0x7a: {  	_ =	shalt  }
0x7b: {  	_ =	shalt  }
0x7c: {  	_ =	shalt  }
0x7d: {  	_ =	shalt  }
0x7e: {  	_ =	shalt  }
0x7f: {  	_ =	shalt  }
0x80: {  	_ =	shalt  }
0x81: {  	_ =	shalt  }
0x82: {  	_ =	shalt  }
0x83: {  	_ =	shalt  }
0x84: {  	_ =	shalt  }
0x85: {  	_ =	shalt  }
0x86: {  	_ =	shalt  }
0x87: {  	_ =	shalt  }
.Lfunc_end0:
.L_simem_size_0:
called_computation.3_lowered:
.L_overlay_start_0:
0x88: {  	s2 =	sld [smem:$0x3FD9]  }
0x89: {  	s3 =	sld [smem:$0x3FFE];
	_ =	sdelay $0x1  }
0x8a: {  	s1 =	srdreg.scid  }
0x8b: {  	s0 =	sand.u32 $0x1, s1  }
0x8c: {  	s14 =	sshll.u32 s0, $0xA;
	s2 =	sadd.s32 s3, s2  }
0x8d: {  	s2 =	sadd.s32 s2, s14  }
0x8e: {  	[smem:$0x3FC1] =	sst s2  }
0x8f: {  	_ = 	snop  }
0x90: {  	s2 =	sld [smem:$0x3FD0];
	_ =	sdelay $0x2  }
0x91: {  	s15 =	simm.s32 $0xB;
	s4 =	simm.s32 $0x10  }
0x92: {  	[smem:s4], [sflag:s15] =	dma.local [hbm:s2], $0x1  }
0x93: {  	_ =	swait.eq [sflag:s15], $0x1  }
0x94: {  	[sflag:s15] =	ssyncset.done $0x0  }
0x95: {  	s16 =	sld [smem:$0x10];
	[sflag:s15] =	ssyncadd.s32 $0xFFFFFFFF  }
0x96: {  	s17 =	sld [smem:$0x11];
	(tm) =	ssettm $0x1  }
0x97: {  	s18 =	sld [smem:$0x3FFB];
	_ =	sdelay $0x3  }
0x98: {  	_ =	strace s18  }
0x99: {  	s4 =	sld [smem:$0x3FFC];
	_ =	sdelay $0x3  }
0x9a: {  	_ =	strace s4  }
0x9b: {  	s4 =	sld [smem:$0x3FFD];
	_ =	sdelay $0x3  }
0x9c: {  	_ =	strace s4  }
0x9d: {  	_ =	strace $0x8FFFFFFF  }
0x9e: {  	s19 =	sld [smem:$0x3FDB];
	_ =	sdelay $0x1  }
0x9f: {  	s5 =	simm.s32 $_scs_section_size  }
0xa0: {  	s6 =	simm.s32 $_size__tile_overlayer_lowered;
	s7 =	simm.s32 $_tile_overlayer_lowered  }
0xa1: {  	s22 =	simm.s32 $0x1BFF;
	s21 =	sshll.u32 s7, $0x1;
	s4 =	sadd.s32 s5, s19  }
0xa2: {  	s8 =	simm.s32 $0x0;
	s20 =	sshll.u32 s6, $0x1;
	s6 =	sadd.s32 s21, s4  }
0xa3: {  	[timem:s8], [sflag:s22] =	dma.local [hbm:s6], s20  }
0xa4: {  	_ =	swait.ge [sflag:s22], s20  }
0xa5: {  	s5 =	ssub.s32 $0x0, s20;
	[sflag:s22] =	ssyncset.done $0x0  }
0xa6: {  	[sflag:s22] =	ssyncadd.s32 s5;
	_ =	sdelay $0x1  }
0xa7: {  	s23 =	simm.s32 $0x1B8B  }
0xa8: {  	_ =	swait.ge [sflag:s23], $0x1  }
0xa9: {  	[sflag:s23] =	ssyncset.done $0x0  }
0xaa: {  	s25 =	simm.s32 $0x1B8E;
	s24 =	sld [smem:$0x3FFE];
	[sflag:s23] =	ssyncadd.s32 $0xFFFFFFFF  }
0xab: {  	s26 =	simm.s32 $execute0_lowered;
	[smem:$0x3FD2] =	sst s25  }
0xac: {  	s6 =	sshll.u32 s26, $0x1;
	_ =	strace $0x8000004F;
	[dreg:$0x1] =	wrdreg $0xFFFFFFFF  }
0xad: {  	s28 =	simm.s32 $_size_execute0_lowered;
	s4 =	sadd.s32 s4, s6;
	[dreg:$0x0] =	wrdreg $0x0  }
0xae: {  	s6 =	sshll.u32 s28, $0x1;
	[dreg:$0x2] =	wrdreg s4  }
0xaf: {  	[dreg:$0x3] =	wrdreg s6  }
0xb0: {  	[dreg:$0x4] =	wrdreg $0xC0  }
0xb1: {  	_ =	task [dreg:s8], $0x5FFFF  }
0xb2: {  	[dreg:$0x1] =	wrdreg $0xFFFFFFFF  }
0xb3: {  	[dreg:$0x0] =	wrdreg $0x60  }
0xb4: {  	[dreg:$0x2] =	wrdreg s17  }
0xb5: {  	[dreg:$0x3] =	wrdreg s24  }
0xb6: {  	[dreg:$0x4] =	wrdreg s16  }
0xb7: {  	[dreg:$0x5] =	wrdreg $0x90000  }
0xb8: {  	[dreg:$0x6] =	wrdreg $0x9  }
0xb9: {  	_ =	task.clear_ibuf [dreg:s8], $0x7FFFF;
	_ =	strace $0x9000004F  }
0xba: {  	s29 =	simm.s32 $0x9;
	_ =	strace $0x80000051  }
0xbb: {  	_ =	swait.ge [sflag:s29], $0x1  }
0xbc: {  	[sflag:s29] =	ssyncadd.s32 $0xFFFFFFFF  }
0xbd: {  	_ =	strace $0x90000051  }
0xbe: {  	_ =	sfence  }
0xbf: {  	s30 =	sld [smem:$0x0];
	_ =	sdelay $0x2  }
0xc0: {  	s31 =	sshll.u32 s1, $0xD;
	s1 =	sshrl.u32 s1, $0x2  }
0xc1: {  	s3 =	sand.u32 $0x4000, s31;
	s1 =	sadd.s32 s1, s30  }
0xc2: {  	s0 =	sor.u32 s3, s0;
	s1 =	sshll.u32 s1, $0x11  }
0xc3: {  	s0 =	sor.u32 s1, s0  }
0xc4: {  	s0 =	sadd.s32 $0x8F2B, s0  }
0xc5: {  	[sflag:s0] =	ssyncadd.remote.s32 $0x1  }
0xc6: {  	_ =	sfence.sel $0xFFFF  }
0xc7: {  	[dreg:$0x0] =	wrdreg $0xFFFFFFFF;
	(pc) =	sbr.abs _section_cstart, $3  }
0xc8: {  	[dreg:$0x1] =	wrdreg $0xFFFFFFFF  }
0xc9: {  	_ =	task.clear_ibuf [dreg:s8], $0x2FFFF;
	_ =	strace $0x9FFFFFFF  }
0xca: {  	(tm) =	ssettm $0x7FFFFFFF  }
0xcb: {  	_ =	shalt  }
tec
execute0_lowered:
.L_overlay_start_1:
0x0: {  	(tag) =	ssettag $0x1  }
0x1: {  	s1 =	rddreg [dreg:$0x0]  }
0x2: {  	s5 =	rddreg [dreg:$0x1]  }
0x3: {  	s8 =	rddreg [dreg:$0x2];
	s2 =	srdreg.scid  }
0x4: {  	s0 =	stileid.u32;
	s3 =	rddreg [dreg:$0x3]  }
0x5: {  	s4 =	simm.s32 $0x0;
	s14 =	simm.s32 $0x80;
	s15 =	simm.s32 $0x5000  }
0x6: {  	s16 =	simm.s32 $0x1;
	s17 =	simm.s32 $0x0;
	s6 =	sand.u32 $0x1, s2  }
0x7: {  	s7 =	sshll.u32 s0, $0x1;
	s2 =	rddreg [dreg:$0x4];
	s10 =	smul.u32 $0x14000, s0  }
0x8: {  	[smem:$0x7FF] =	sst s4;
	s12 =	smul.u32 $0x50000, s0;
	s31 =	sshll.u32 s0, $0x6  }
0x9: {  	s7 =	sor.u32 s6, s7;
	s9 =	smul.u32 $0x140000, s6;
	s6 =	ssub.s32 $0x2, s6  }
0xa: {  	_ =	strace $0x80000050;
	s7 =	smul.u32 $0x500, s7;
	s11 =	sshrl.u32 s6, $0x1  }
0xb: {  	s30 =	sshrl.u32 s12, $0x2;
	s12 =	sor.u32 $0x1C02, s31;
	s11 =	ssub.s32 s6, s11  }
0xc: {  	s9 =	sadd.s32 s10, s9;
	s13 =	sadd.s32 s30, s3;
	s10 =	simm.s32 $0x2  }
0xd: {  	s7 =	sadd.s32 s7, s5;
	s5 =	sadd.s32 $0xD600, s5;
	s9 =	sshrl.u32 s9, $0x3  }
0xe: {  	s13 =	sshrl.u32 s13, $0x3;
	s6 =	sadd.s32 $0x5FE00, s7;
	s7 =	sadd.s32 $0x3600, s7  }
0xf: {  	s8 =	sadd.s32 s8, s9;
	s9 =	smax.u32 s11, $0x1;
	s11 =	simm.s32 $0x2800  }
.LBB2_1:
0x10: {  	[tilespmem:s4], [sflag:$0x2] =	stream.linear.gather [hbm4b:s6+s4], $0x2780, $0x38;
	[tilespmem:$0x1D000] =	vst v63  }
0x11: {  	_ =	swait.ge [sflag:s10], $0x2780  }
0x12: {  	[sflag:s10] =	ssyncset.done $0x0  }
0x13: {  	[sflag:s10] =	ssyncadd.s32 $0xFFFFD880  }
0x14: {  	[tilespmem:s11], [sflag:$0x2] =	stream.linear.gather [hbm4b:s7+s4], $0x2780, $0x38;
	[tilespmem:$0x1D000] =	vst v63  }
0x15: {  	_ =	swait.ge [sflag:s10], $0x2780  }
0x16: {  	[sflag:s10] =	ssyncset.done $0x0  }
0x17: {  	[sflag:s10] =	ssyncadd.s32 $0xFFFFD880  }
0x18: {  	[spmem:s13], [sflag:s12] =	dma.local [hbm:s5], $0x2800  }
0x19: {  	_ =	swait.ge [sflag:s10], $0x2800  }
0x1a: {  	[sflag:s10] =	ssyncset.done $0x0  }
0x1b: {  	[sflag:s10] =	ssyncadd.s32 $0xFFFFD800  }
0x1c: {  	s18 =	simm.s32 $0x0;
	[bflag:$0x0] =	sbarrier.arrive $0xFFFF  }
0x1d: {  	[tilespmem:s15], [sflag:$0x1] =	stream.indirect.gather [hbm4b:s1+s14], $0x80, s18, s14, $0xb8;
	[tilespmem:$0x1D000] =	vst v63  }
0x1e: {  	_ =	swait.ge [sflag:s16], $0x4000  }
0x1f: {  	[sflag:s16] =	ssyncset.done $0x0  }
0x20: {  	s31 =	simm.s32 $0x2800;
	[sflag:s16] =	ssyncadd.s32 $0xFFFFC000  }
0x21: {  	[spmem:s3] =	stream.indirect.scatter.add.f32 [tilespmem:s15], [sflag:$0x2], $0x80, s31, s14, $0xb8;
	[tilespmem:$0x1D000] =	vst v63  }
0x22: {  	_ =	swait.ge [sflag:s10], $0x4000  }
0x23: {  	s19 =	simm.s32 $0x400;
	s18 =	simm.s32 $0x200;
	[sflag:s10] =	ssyncset.done $0x0  }
.LBB2_2:
0x24: {  	s20 =	sshra.s32 s18, $0x2  }
0x25: {  	[sflag:s10] =	ssyncadd.s32 $0xFFFFC000;
	s18 =	smov.u32 s19;
	s21 =	sadd.s32 $0x200, s19  }
0x26: {  	[tilespmem:s15], [sflag:$0x1] =	stream.indirect.gather [hbm4b:s1+s14], $0x80, s20, s14, $0xb8;
	[tilespmem:$0x1D000] =	vst v63  }
0x27: {  	p0 =	sne.s32 s19, $0x9C00;
	_ =	swait.ge [sflag:s16], $0x4000  }
.Ltmp0:
0x28: {  	[sflag:s16] =	ssyncset.done $0x0;
	(pc) =	sbr.rel @p0 .LBB2_2-.Ltmp0, $4  }
0x29: {  	s19 =	sadd.s32 $0x2800, s20;
	[sflag:s16] =	ssyncadd.s32 $0xFFFFC000  }
0x2a: {  	[spmem:s3] =	stream.indirect.scatter.add.f32 [tilespmem:s15], [sflag:$0x2], $0x80, s19, s14, $0xb8;
	[tilespmem:$0x1D000] =	vst v63  }
0x2b: {  	_ =	swait.ge [sflag:s10], $0x4000  }
0x2c: {  	s19 =	smov.u32 s21;
	[sflag:s10] =	ssyncset.done $0x0  }
0x2d: {  	s18 =	sshra.s32 s18, $0x2;
	[sflag:s10] =	ssyncadd.s32 $0xFFFFC000  }
0x2e: {  	[tilespmem:s15], [sflag:$0x1] =	stream.indirect.gather [hbm4b:s1+s14], $0x80, s18, s14, $0xb8;
	[tilespmem:$0x1D000] =	vst v63  }
0x2f: {  	_ =	swait.ge [sflag:s16], $0x4000  }
0x30: {  	[sflag:s16] =	ssyncset.done $0x0  }
0x31: {  	s18 =	sadd.s32 $0x2800, s18;
	[sflag:s16] =	ssyncadd.s32 $0xFFFFC000  }
0x32: {  	[spmem:s3] =	stream.indirect.scatter.add.f32 [tilespmem:s15], [sflag:$0x2], $0x80, s18, s14, $0xb8;
	[tilespmem:$0x1D000] =	vst v63  }
0x33: {  	_ =	swait.ge [sflag:s10], $0x4000  }
0x34: {  	s17 =	sadd.s32 $0x1, s17;
	[sflag:s10] =	ssyncset.done $0x0  }
0x35: {  	p0 =	sne.s32 s17, s9;
	[sflag:s10] =	ssyncadd.s32 $0xFFFFC000  }
.Ltmp1:
0x36: {  	[bflag:$0x0] =	sbarrier.arrive $0xFFFF;
	(pc) =	sbr.rel @p0 .LBB2_1-.Ltmp1, $4  }
0x37: {  	[hbm:s8], [sflag:s12] =	dma.local [spmem:s13], $0x2800  }
0x38: {  	_ =	swait.ge [sflag:s10], $0x2800  }
0x39: {  	[sflag:s10] =	ssyncset.done $0x0  }
0x3a: {  	[sflag:s10] =	ssyncadd.s32 $0xFFFFD800  }
0x3b: {  	_ =	sfence.sel $0x180000  }
0x3c: {  	[bflag:$0x0] =	sbarrier.arrive $0xFFFF  }
0x3d: {  	p0 =	sne.s32 s0, $0x0;
	_ =	strace $0x90000050  }
0x3e: {  	s0 =	sadd.s32 @!p0 $0x100000, s2;
	[bflag:$0x2] =	sbarrier.arrive $0xFFFF  }
0x3f: {  	[sflag:s0] =	ssyncadd.tile.s32 @!p0 $0x1;
	_ =	shalt  }
.Lfunc_end2:
_tile_overlayer_lowered:
.L_overlay_start_2:
0x40: {  	(tag) =	ssettag $0x2  }
0x41: {  	s0 =	rddreg [dreg:$0x0];
	s2 =	stileid.u32  }
0x42: {  	s1 =	rddreg [dreg:$0x1];
	p0 =	sne.s32 s2, $0x0  }
0x43: {  	s3 =	rddreg [dreg:$0x2];
	[bflag:$0x3] =	sbarrier.arrive $0xFFFF;
	s2 =	simm.s32 @!p0 $0x1C02  }
0x44: {  	[timem:s3], [sflag:s2] =	dma.local @!p0 [hbm:s0], s1  }
0x45: {  	s0 =	simm.s32 @!p0 $0x2  }
0x46: {  	_ =	swait.ge @!p0 [sflag:s0], s1  }
0x47: {  	s1 =	ssub.s32 @!p0 $0x0, s1;
	[sflag:s0] =	ssyncset.done @!p0 $0x0  }
0x48: {  	[sflag:s0] =	ssyncadd.s32 @!p0 s1  }
0x49: {  	[bflag:$0x3] =	sbarrier.arrive $0xFFFF  }
0x4a: {  	_ =	shalt  }

// kernel: kernel.9.cloned.1.call-start
scs
__scs_entry_jumppad:
0x0: {  	(pc) =	sbr.rel $0x88, $3  }
0x1: {  	(tag) =	ssettag $0x0;
	lr =	simm.s32 $0x1  }
0x2: {  	[smem:$0x3F9A] =	sst lr;
	_ =	strace $0xD0000000  }
0x3: {  	_ = 	snop  }
0x4: {  	_ = 	snop  }
0x5: {  	_ = 	snop  }
0x6: {  	_ = 	snop  }
0x7: {  	_ = 	snop  }
__scs_overlays_trampoline_lowered:
0x8: {  	[smem:$0x3FA9] =	sst s0  }
0x9: {  	[smem:$0x3FAA] =	sst s1  }
0xa: {  	[smem:$0x3FAB] =	sst s2  }
0xb: {  	[smem:$0x3FAC] =	sst s3  }
0xc: {  	[smem:$0x3FAD] =	sst s4  }
0xd: {  	[smem:$0x3FAE] =	sst s5  }
0xe: {  	[smem:$0x3FAF] =	sst s6  }
0xf: {  	[smem:$0x3FB0] =	sst s7  }
0x10: {  	[smem:$0x3FB1] =	sst s8  }
0x11: {  	[smem:$0x3FB2] =	sst s9;
	s0 =	simm.s32 @!p0 $0x0  }
0x12: {  	s1 =	sld [smem:$0x3F98];
	s0 =	simm.s32 @p0 $0x1  }
0x13: {  	[smem:$0x3FB3] =	sst s0;
	s0 =	simm.s32 @!p1 $0x0  }
0x14: {  	s2 =	sld [smem:$0x3F97];
	s0 =	simm.s32 @p1 $0x1  }
0x15: {  	[smem:$0x3FB4] =	sst s0;
	s0 =	simm.s32 @!p2 $0x0  }
0x16: {  	s3 =	sld [smem:$0x3FDB];
	s0 =	simm.s32 @p2 $0x1  }
0x17: {  	s4 =	simm.s32 $0x1BF5;
	[smem:$0x3FB6] =	sst s0  }
0x18: {  	s0 =	sld [smem:$0x3F99];
	_ =	swait.ge [sflag:s4], $0x0  }
0x19: {  	s7 =	sld [smem:$0x3F9A]  }
0x1a: {  	s8 =	sadd.s32 $0xFFFFE003, lr  }
0x1b: {  	s9 =	sadd.s32 $0xFFFFFEF7, lr;
	s5 =	simm.s32 $0xFFFFFFFF;
	p2 =	slt.u32 s8, $0xFFFFF086  }
0x1c: {  	p1 =	slt.u32 s9, $0xF7A;
	s5 =	simm.s32 @!p2 $0x0  }
0x1d: {  	s5 =	simm.s32 @p1 $0x1;
	p0 =	seq.s32 s7, s2  }
0x1e: {  	s7 =	smul.u32 @!p0 $0xF7A, s2;
	p2 =	seq.s32 @!p0 s5, $0x0  }
0x1f: {  	s9 =	smul.u32 $0xF7A, s1;
	s8 =	simm.s32 @!p0 $0x1BF5;
	p2 =	por !p2, p0  }
0x20: {  	[sflag:s8] =	ssyncset.s32 @!p0 $0xFFFFF086;
	s6 =	sadd.s32 @!p0 s3, s7;
	s7 =	simm.s32 @!p0 $0x108  }
0x21: {  	s3 =	sadd.s32 s3, s9;
	s6 =	sadd.s32 @!p0 $0x88, s6;
	s7 =	simm.s32 @p2 $0x1082  }
0x22: {  	[simem:s7], [sflag:s8] =	dma.local @!p0 [hbm:s6], $0xF7A  }
0x23: {  	s9 =	sor.u32 $0xD0000000, s2;
	s6 =	simm.s32 $0x108;
	_ =	swait.ge @!p0 [sflag:s8], $0x0  }
0x24: {  	s3 =	sadd.s32 $0x88, s3;
	s6 =	simm.s32 @!p1 $0x1082;
	[sflag:s4] =	ssyncset.s32 $0xFFFFF086  }
0x25: {  	[simem:s6], [sflag:s4] =	dma.local [hbm:s3], $0xF7A  }
0x26: {  	[smem:$0x3F9A] =	sst s1;
	(tag) =	ssettag s2;
	_ =	strace s9  }
0x27: {  	s1 =	sld [smem:$0x3FAA]  }
0x28: {  	s2 =	sld [smem:$0x3FAB]  }
0x29: {  	s4 =	sld [smem:$0x3FAD]  }
0x2a: {  	p0 =	seq.s32 s5, $0x0;
	s5 =	sld [smem:$0x3FAE]  }
0x2b: {  	s6 =	sld [smem:$0x3FAF]  }
0x2c: {  	s7 =	sld [smem:$0x3FB0]  }
0x2d: {  	s3 =	simm.s32 $0x108;
	s8 =	sld [smem:$0x3FB1]  }
0x2e: {  	s3 =	simm.s32 @!p0 $0x1082;
	s9 =	sld [smem:$0x3FB2]  }
0x2f: {  	lr =	sadd.s32 s0, s3;
	s0 =	sld [smem:$0x3FA9]  }
0x30: {  	s3 =	sld [smem:$0x3FAC]  }
0x31: {  	[smem:$0x3FB5] =	sst s10  }
0x32: {  	s10 =	sld [smem:$0x3FB3];
	_ =	sdelay $0x3  }
0x33: {  	p0 =	seq.s32 s10, $0x1;
	s10 =	sld [smem:$0x3FB5];
	_ =	sdelay $0x3  }
0x34: {  	[smem:$0x3FB5] =	sst s10  }
0x35: {  	s10 =	sld [smem:$0x3FB4];
	_ =	sdelay $0x3  }
0x36: {  	p1 =	seq.s32 s10, $0x1;
	s10 =	sld [smem:$0x3FB5];
	_ =	sdelay $0x3  }
0x37: {  	[smem:$0x3FB5] =	sst s10  }
0x38: {  	s10 =	sld [smem:$0x3FB6]  }
0x39: {  	_ = 	snop;
	(pc) =	sbr.ind lr, $3  }
0x3a: {  	_ = 	snop  }
0x3b: {  	_ = 	snop  }
0x3c: {  	p2 =	seq.s32 s10, $0x1;
	s10 =	sld [smem:$0x3FB5]  }
0x3d: {  	_ =	shalt  }
0x3e: {  	_ =	shalt  }
0x3f: {  	_ =	shalt  }
0x40: {  	_ =	shalt  }
0x41: {  	_ =	shalt  }
0x42: {  	_ =	shalt  }
0x43: {  	_ =	shalt  }
0x44: {  	_ =	shalt  }
0x45: {  	_ =	shalt  }
0x46: {  	_ =	shalt  }
0x47: {  	_ =	shalt  }
0x48: {  	_ =	shalt  }
0x49: {  	_ =	shalt  }
0x4a: {  	_ =	shalt  }
0x4b: {  	_ =	shalt  }
0x4c: {  	_ =	shalt  }
0x4d: {  	_ =	shalt  }
0x4e: {  	_ =	shalt  }
0x4f: {  	_ =	shalt  }
0x50: {  	_ =	shalt  }
0x51: {  	_ =	shalt  }
0x52: {  	_ =	shalt  }
0x53: {  	_ =	shalt  }
0x54: {  	_ =	shalt  }
0x55: {  	_ =	shalt  }
0x56: {  	_ =	shalt  }
0x57: {  	_ =	shalt  }
0x58: {  	_ =	shalt  }
0x59: {  	_ =	shalt  }
0x5a: {  	_ =	shalt  }
0x5b: {  	_ =	shalt  }
0x5c: {  	_ =	shalt  }
0x5d: {  	_ =	shalt  }
0x5e: {  	_ =	shalt  }
0x5f: {  	_ =	shalt  }
0x60: {  	_ =	shalt  }
0x61: {  	_ =	shalt  }
0x62: {  	_ =	shalt  }
0x63: {  	_ =	shalt  }
0x64: {  	_ =	shalt  }
0x65: {  	_ =	shalt  }
0x66: {  	_ =	shalt  }
0x67: {  	_ =	shalt  }
0x68: {  	_ =	shalt  }
0x69: {  	_ =	shalt  }
0x6a: {  	_ =	shalt  }
0x6b: {  	_ =	shalt  }
0x6c: {  	_ =	shalt  }
0x6d: {  	_ =	shalt  }
0x6e: {  	_ =	shalt  }
0x6f: {  	_ =	shalt  }
0x70: {  	_ =	shalt  }
0x71: {  	_ =	shalt  }
0x72: {  	_ =	shalt  }
0x73: {  	_ =	shalt  }
0x74: {  	_ =	shalt  }
0x75: {  	_ =	shalt  }
0x76: {  	_ =	shalt  }
0x77: {  	_ =	shalt  }
0x78: {  	_ =	shalt  }
0x79: {  	_ =	shalt  }
0x7a: {  	_ =	shalt  }
0x7b: {  	_ =	shalt  }
0x7c: {  	_ =	shalt  }
0x7d: {  	_ =	shalt  }
0x7e: {  	_ =	shalt  }
0x7f: {  	_ =	shalt  }
0x80: {  	_ =	shalt  }
0x81: {  	_ =	shalt  }
0x82: {  	_ =	shalt  }
0x83: {  	_ =	shalt  }
0x84: {  	_ =	shalt  }
0x85: {  	_ =	shalt  }
0x86: {  	_ =	shalt  }
0x87: {  	_ =	shalt  }
.Lfunc_end0:
.L_simem_size_0:
called_computation_lowered:
.L_overlay_start_0:
0x88: {  	s2 =	sld [smem:$0x3FD9]  }
0x89: {  	s3 =	sld [smem:$0x3FFE];
	_ =	sdelay $0x1  }
0x8a: {  	s1 =	srdreg.scid  }
0x8b: {  	s0 =	sand.u32 $0x1, s1  }
0x8c: {  	s14 =	sshll.u32 s0, $0xA;
	s2 =	sadd.s32 s3, s2  }
0x8d: {  	s2 =	sadd.s32 s2, s14  }
0x8e: {  	[smem:$0x3FC1] =	sst s2  }
0x8f: {  	_ = 	snop  }
0x90: {  	s2 =	sld [smem:$0x3FD0];
	_ =	sdelay $0x2  }
0x91: {  	s15 =	simm.s32 $0xB;
	s4 =	simm.s32 $0x10  }
0x92: {  	[smem:s4], [sflag:s15] =	dma.local [hbm:s2], $0x1  }
0x93: {  	_ =	swait.eq [sflag:s15], $0x1  }
0x94: {  	[sflag:s15] =	ssyncset.done $0x0  }
0x95: {  	[sflag:s15] =	ssyncadd.s32 $0xFFFFFFFF  }
0x96: {  	s16 =	sld [smem:$0x11];
	(tm) =	ssettm $0x1  }
0x97: {  	s17 =	sld [smem:$0x3FFB];
	_ =	sdelay $0x3  }
0x98: {  	_ =	strace s17  }
0x99: {  	s3 =	sld [smem:$0x3FFC];
	_ =	sdelay $0x3  }
0x9a: {  	_ =	strace s3  }
0x9b: {  	s3 =	sld [smem:$0x3FFD];
	_ =	sdelay $0x3  }
0x9c: {  	_ =	strace s3  }
0x9d: {  	_ =	strace $0x8FFFFFFF  }
0x9e: {  	s18 =	sld [smem:$0x3FDB];
	_ =	sdelay $0x1  }
0x9f: {  	s19 =	simm.s32 $_scs_section_size  }
0xa0: {  	s5 =	simm.s32 $_size__tile_overlayer_lowered;
	s6 =	simm.s32 $_tile_overlayer_lowered  }
0xa1: {  	s22 =	simm.s32 $0x1BFF;
	s21 =	sshll.u32 s6, $0x1;
	s3 =	sadd.s32 s19, s18  }
0xa2: {  	s7 =	simm.s32 $0x0;
	s20 =	sshll.u32 s5, $0x1;
	s5 =	sadd.s32 s21, s3  }
0xa3: {  	[timem:s7], [sflag:s22] =	dma.local [hbm:s5], s20  }
0xa4: {  	_ =	swait.ge [sflag:s22], s20  }
0xa5: {  	s4 =	ssub.s32 $0x0, s20;
	[sflag:s22] =	ssyncset.done $0x0  }
0xa6: {  	[sflag:s22] =	ssyncadd.s32 s4;
	_ =	sdelay $0x1  }
0xa7: {  	s23 =	simm.s32 $0x1B8B  }
0xa8: {  	_ =	swait.ge [sflag:s23], $0x1  }
0xa9: {  	[sflag:s23] =	ssyncset.done $0x0  }
0xaa: {  	s25 =	simm.s32 $0x1B8E;
	s24 =	sld [smem:$0x3FFE];
	[sflag:s23] =	ssyncadd.s32 $0xFFFFFFFF  }
0xab: {  	s26 =	simm.s32 $execute0_lowered;
	[smem:$0x3FD2] =	sst s25  }
0xac: {  	s5 =	sshll.u32 s26, $0x1;
	_ =	strace $0x80000046;
	[dreg:$0x1] =	wrdreg $0xFFFFFFFF  }
0xad: {  	s28 =	simm.s32 $_size_execute0_lowered;
	s3 =	sadd.s32 s3, s5;
	[dreg:$0x0] =	wrdreg $0x0  }
0xae: {  	s5 =	sshll.u32 s28, $0x1;
	[dreg:$0x2] =	wrdreg s3  }
0xaf: {  	[dreg:$0x3] =	wrdreg s5  }
0xb0: {  	[dreg:$0x4] =	wrdreg $0xC0  }
0xb1: {  	_ =	task [dreg:s7], $0x5FFFF  }
0xb2: {  	[dreg:$0x1] =	wrdreg $0xFFFFFFFF  }
0xb3: {  	[dreg:$0x0] =	wrdreg $0x60  }
0xb4: {  	[dreg:$0x2] =	wrdreg s24  }
0xb5: {  	[dreg:$0x3] =	wrdreg s16  }
0xb6: {  	[dreg:$0x4] =	wrdreg $0x90000  }
0xb7: {  	[dreg:$0x5] =	wrdreg $0x9  }
0xb8: {  	_ =	task.clear_ibuf [dreg:s7], $0x6FFFF;
	_ =	strace $0x90000046  }
0xb9: {  	s29 =	simm.s32 $0x9;
	_ =	strace $0x80000048  }
0xba: {  	_ =	swait.ge [sflag:s29], $0x1  }
0xbb: {  	[sflag:s29] =	ssyncadd.s32 $0xFFFFFFFF  }
0xbc: {  	_ =	strace $0x90000048  }
0xbd: {  	_ =	sfence  }
0xbe: {  	s30 =	sld [smem:$0x0];
	_ =	sdelay $0x2  }
0xbf: {  	s31 =	sshll.u32 s1, $0xD;
	s1 =	sshrl.u32 s1, $0x2  }
0xc0: {  	s3 =	sand.u32 $0x4000, s31;
	s1 =	sadd.s32 s1, s30  }
0xc1: {  	s0 =	sor.u32 s3, s0;
	s1 =	sshll.u32 s1, $0x11  }
0xc2: {  	s0 =	sor.u32 s1, s0  }
0xc3: {  	s0 =	sadd.s32 $0x8F2B, s0  }
0xc4: {  	[sflag:s0] =	ssyncadd.remote.s32 $0x1  }
0xc5: {  	_ =	sfence.sel $0xFFFF  }
0xc6: {  	[dreg:$0x0] =	wrdreg $0xFFFFFFFF;
	(pc) =	sbr.abs _section_cstart, $3  }
0xc7: {  	[dreg:$0x1] =	wrdreg $0xFFFFFFFF  }
0xc8: {  	_ =	task.clear_ibuf [dreg:s7], $0x2FFFF;
	_ =	strace $0x9FFFFFFF  }
0xc9: {  	(tm) =	ssettm $0x7FFFFFFF  }
tec
execute0_lowered:
.L_overlay_start_1:
0x0: {  	(tag) =	ssettag $0x1  }
0x1: {  	s1 =	srdreg.scid;
	s6 =	rddreg [dreg:$0x0]  }
0x2: {  	s0 =	stileid.u32;
	s7 =	rddreg [dreg:$0x1]  }
0x3: {  	s2 =	rddreg [dreg:$0x2];
	s3 =	simm.s32 $0x0;
	s14 =	simm.s32 $0x80  }
0x4: {  	s15 =	simm.s32 $0x5000;
	s16 =	simm.s32 $0x1;
	s17 =	simm.s32 $0x0  }
0x5: {  	s5 =	sand.u32 $0x1, s1;
	s28 =	sshll.u32 s0, $0x1;
	s10 =	smul.u32 $0x14000, s0  }
0x6: {  	[smem:$0x7FF] =	sst s3;
	s4 =	sadd.s32 $0x9D1800, s6;
	s13 =	smul.u32 $0x50000, s0  }
0x7: {  	s31 =	sshll.u32 s0, $0x6;
	s1 =	sor.u32 s5, s28;
	s9 =	smul.u32 $0x140000, s5  }
0x8: {  	s29 =	ssub.s32 $0x2, s5;
	s5 =	sadd.s32 $0xD600, s6;
	s8 =	smul.u32 $0x500, s1  }
0x9: {  	s1 =	rddreg [dreg:$0x3];
	_ =	strace $0x80000047;
	s12 =	sshrl.u32 s29, $0x1  }
0xa: {  	s30 =	sshrl.u32 s13, $0x2;
	s9 =	sadd.s32 s10, s9;
	s10 =	ssub.s32 s29, s12  }
0xb: {  	s13 =	sadd.s32 s30, s2;
	s12 =	sor.u32 $0x1C02, s31;
	s9 =	sshrl.u32 s9, $0x3  }
0xc: {  	s11 =	sadd.s32 s8, s6;
	s13 =	sshrl.u32 s13, $0x3;
	s9 =	sadd.s32 s9, s6  }
0xd: {  	s6 =	sadd.s32 s7, s8;
	s7 =	sadd.s32 $0x3600, s11;
	s11 =	simm.s32 $0x2800  }
0xe: {  	s8 =	sadd.s32 $0xFE00, s9;
	s9 =	smax.u32 s10, $0x1;
	s10 =	simm.s32 $0x2  }
.LBB2_1:
0xf: {  	[tilespmem:s3], [sflag:$0x2] =	stream.linear.gather [hbm4b:s6+s3], $0x2780, $0x38;
	[tilespmem:$0x1D000] =	vst v63  }
0x10: {  	_ =	swait.ge [sflag:s10], $0x2780  }
0x11: {  	[sflag:s10] =	ssyncset.done $0x0  }
0x12: {  	[sflag:s10] =	ssyncadd.s32 $0xFFFFD880  }
0x13: {  	[tilespmem:s11], [sflag:$0x2] =	stream.linear.gather [hbm4b:s7+s3], $0x2780, $0x38;
	[tilespmem:$0x1D000] =	vst v63  }
0x14: {  	_ =	swait.ge [sflag:s10], $0x2780  }
0x15: {  	[sflag:s10] =	ssyncset.done $0x0  }
0x16: {  	[sflag:s10] =	ssyncadd.s32 $0xFFFFD880  }
0x17: {  	[spmem:s13], [sflag:s12] =	dma.local [hbm:s5], $0x2800  }
0x18: {  	_ =	swait.ge [sflag:s10], $0x2800  }
0x19: {  	[sflag:s10] =	ssyncset.done $0x0  }
0x1a: {  	[sflag:s10] =	ssyncadd.s32 $0xFFFFD800  }
0x1b: {  	s18 =	simm.s32 $0x0;
	[bflag:$0x0] =	sbarrier.arrive $0xFFFF  }
0x1c: {  	[tilespmem:s15], [sflag:$0x1] =	stream.indirect.gather [hbm4b:s4+s14], $0x80, s18, s14, $0xb8;
	[tilespmem:$0x1D000] =	vst v63  }
0x1d: {  	_ =	swait.ge [sflag:s16], $0x4000  }
0x1e: {  	[sflag:s16] =	ssyncset.done $0x0  }
0x1f: {  	s31 =	simm.s32 $0x2800;
	[sflag:s16] =	ssyncadd.s32 $0xFFFFC000  }
0x20: {  	[spmem:s2] =	stream.indirect.scatter.add.f32 [tilespmem:s15], [sflag:$0x2], $0x80, s31, s14, $0xb8;
	[tilespmem:$0x1D000] =	vst v63  }
0x21: {  	_ =	swait.ge [sflag:s10], $0x4000  }
0x22: {  	s19 =	simm.s32 $0x400;
	s18 =	simm.s32 $0x200;
	[sflag:s10] =	ssyncset.done $0x0  }
.LBB2_2:
0x23: {  	s20 =	sshra.s32 s18, $0x2  }
0x24: {  	[sflag:s10] =	ssyncadd.s32 $0xFFFFC000;
	s18 =	smov.u32 s19;
	s21 =	sadd.s32 $0x200, s19  }
0x25: {  	[tilespmem:s15], [sflag:$0x1] =	stream.indirect.gather [hbm4b:s4+s14], $0x80, s20, s14, $0xb8;
	[tilespmem:$0x1D000] =	vst v63  }
0x26: {  	p0 =	sne.s32 s19, $0x9C00;
	_ =	swait.ge [sflag:s16], $0x4000  }
.Ltmp0:
0x27: {  	[sflag:s16] =	ssyncset.done $0x0;
	(pc) =	sbr.rel @p0 .LBB2_2-.Ltmp0, $4  }
0x28: {  	s19 =	sadd.s32 $0x2800, s20;
	[sflag:s16] =	ssyncadd.s32 $0xFFFFC000  }
0x29: {  	[spmem:s2] =	stream.indirect.scatter.add.f32 [tilespmem:s15], [sflag:$0x2], $0x80, s19, s14, $0xb8;
	[tilespmem:$0x1D000] =	vst v63  }
0x2a: {  	_ =	swait.ge [sflag:s10], $0x4000  }
0x2b: {  	s19 =	smov.u32 s21;
	[sflag:s10] =	ssyncset.done $0x0  }
0x2c: {  	s18 =	sshra.s32 s18, $0x2;
	[sflag:s10] =	ssyncadd.s32 $0xFFFFC000  }
0x2d: {  	[tilespmem:s15], [sflag:$0x1] =	stream.indirect.gather [hbm4b:s4+s14], $0x80, s18, s14, $0xb8;
	[tilespmem:$0x1D000] =	vst v63  }
0x2e: {  	_ =	swait.ge [sflag:s16], $0x4000  }
0x2f: {  	[sflag:s16] =	ssyncset.done $0x0  }
0x30: {  	s18 =	sadd.s32 $0x2800, s18;
	[sflag:s16] =	ssyncadd.s32 $0xFFFFC000  }
0x31: {  	[spmem:s2] =	stream.indirect.scatter.add.f32 [tilespmem:s15], [sflag:$0x2], $0x80, s18, s14, $0xb8;
	[tilespmem:$0x1D000] =	vst v63  }
0x32: {  	_ =	swait.ge [sflag:s10], $0x4000  }
0x33: {  	s17 =	sadd.s32 $0x1, s17;
	[sflag:s10] =	ssyncset.done $0x0  }
0x34: {  	p0 =	sne.s32 s17, s9;
	[sflag:s10] =	ssyncadd.s32 $0xFFFFC000  }
.Ltmp1:
0x35: {  	[bflag:$0x0] =	sbarrier.arrive $0xFFFF;
	(pc) =	sbr.rel @p0 .LBB2_1-.Ltmp1, $4  }
0x36: {  	[hbm:s8], [sflag:s12] =	dma.local [spmem:s13], $0x2800  }
0x37: {  	_ =	swait.ge [sflag:s10], $0x2800  }
0x38: {  	[sflag:s10] =	ssyncset.done $0x0  }
0x39: {  	[sflag:s10] =	ssyncadd.s32 $0xFFFFD800  }
0x3a: {  	_ =	sfence.sel $0x180000  }
0x3b: {  	[bflag:$0x0] =	sbarrier.arrive $0xFFFF  }
0x3c: {  	p0 =	sne.s32 s0, $0x0;
	_ =	strace $0x90000047  }
0x3d: {  	s0 =	sadd.s32 @!p0 $0x100000, s1;
	[bflag:$0x2] =	sbarrier.arrive $0xFFFF  }
0x3e: {  	[sflag:s0] =	ssyncadd.tile.s32 @!p0 $0x1;
	_ =	shalt  }
.Lfunc_end2:
_tile_overlayer_lowered:
.L_overlay_start_2:
0x3f: {  	(tag) =	ssettag $0x2  }
0x40: {  	s0 =	rddreg [dreg:$0x0];
	s2 =	stileid.u32  }
0x41: {  	s1 =	rddreg [dreg:$0x1];
	p0 =	sne.s32 s2, $0x0  }
0x42: {  	s3 =	rddreg [dreg:$0x2];
	[bflag:$0x3] =	sbarrier.arrive $0xFFFF;
	s2 =	simm.s32 @!p0 $0x1C02  }
0x43: {  	[timem:s3], [sflag:s2] =	dma.local @!p0 [hbm:s0], s1  }
0x44: {  	s0 =	simm.s32 @!p0 $0x2  }
0x45: {  	_ =	swait.ge @!p0 [sflag:s0], s1  }
0x46: {  	s1 =	ssub.s32 @!p0 $0x0, s1;
	[sflag:s0] =	ssyncset.done @!p0 $0x0  }
0x47: {  	[sflag:s0] =	ssyncadd.s32 @!p0 s1  }
0x48: {  	[bflag:$0x3] =	sbarrier.arrive $0xFFFF  }
0x49: {  	_ =	shalt  }

</sc_bundles>
